<compile_context>
chip_gen: v7x
topology: tpu7x:2x2x1
jax: 0.10.2.dev20260603
libtpu: 0.0.44.dev20260713+nightly
codegen_flags: <defaults>
</compile_context>

<pallas_src>
import functools

import jax
import jax.numpy as jnp
from jax import lax
from jax.experimental import pallas as pl
from jax.experimental.pallas import tpu as pltpu
from jax.experimental.pallas import tpu_sc as plsc

_D = 32
_H1 = 64
_H2 = 32


def _detile_table(table):
    V = table.shape[0]
    VF = (V // 512) * 512
    tableT = table.T
    tail = table[VF:].reshape(((V - VF) * _D) // 128, 128)
    n_tail = tail.shape[0]
    NG = VF // 512
    R4 = (V * _D) // 128
    info = plsc.get_sparse_core_info()
    NC, NS = info.num_cores, info.num_subcores
    NW = NC * NS
    per_w = 2 * (-(-NG // (2 * NW)))
    mesh = plsc.VectorSubcoreMesh(core_axis_name="c", subcore_axis_name="s")

    @functools.partial(
        pl.kernel,
        out_type=jax.ShapeDtypeStruct((R4, 128), jnp.float32),
        mesh=mesh,
        scratch_types=[
            pltpu.VMEM((128, 128), jnp.float32),
            pltpu.VMEM((128, 128), jnp.float32),
            pltpu.VMEM((128, 128), jnp.float32),
            pltpu.VMEM((128, 128), jnp.float32),
            pltpu.SemaphoreType.DMA,
            pltpu.SemaphoreType.DMA,
            pltpu.SemaphoreType.DMA,
            pltpu.SemaphoreType.DMA,
        ],
        compiler_params=pltpu.CompilerParams(
            use_tc_tiling_on_sc=True, needs_layout_passes=False
        ),
    )
    def transpose_kernel(
        tt_hbm, tail_hbm, t4_hbm, inA, inB, outA, outB, isemA, isemB,
        osemA, osemB
    ):
        wid = lax.axis_index("s") * NC + lax.axis_index("c")
        iota = lax.iota(jnp.int32, 16)
        tvecs = [(iota + d) & 15 for d in range(16)]
        wbase = [t * 32 + iota for t in tvecs]

        def fire_in(gid, inb, isem):
            base = gid * 512
            for j in range(4):
                pltpu.async_copy(
                    tt_hbm.at[:, pl.ds(base + j * 128, 128)],
                    inb.at[pl.ds(j * 32, 32)],
                    isem,
                )

        def drain_in(gid, inb, isem):
            base = gid * 512
            for j in range(4):
                pltpu.make_async_copy(
                    tt_hbm.at[:, pl.ds(base + j * 128, 128)],
                    inb.at[pl.ds(j * 32, 32)],
                    isem,
                ).wait()

        def extract(inb, outb):
            def emit(m, carry):
                j = m >> 4
                h = (m >> 3) & 1
                e0 = (m & 7) * 16
                rows = j * 32 + h * 16 + iota
                wb = j * 4096 + e0 * 32 + h * 16
                for d0 in range(0, 16, 8):
                    vs = [
                        plsc.load_gather(inb, [rows, e0 + tvecs[d0 + u]])
                        for u in range(8)
                    ]
                    for u in range(8):
                        w = wb + wbase[d0 + u]
                        plsc.store_scatter(outb, [w >> 7, w & 127], vs[u])
                return carry

            lax.fori_loop(0, 64, emit, 0)

        def pair_body(i, carry):
            gidA = wid * per_w + 2 * i
            gidB = gidA + 1
            okA, okB = gidA < NG, gidB < NG

            @pl.when(okA)
            def _():
                fire_in(gidA, inA, isemA)

            @pl.when(okB)
            def _():
                fire_in(gidB, inB, isemB)

            @pl.when(okA)
            def _():
                drain_in(gidA, inA, isemA)
                extract(inA, outA)
                pltpu.async_copy(
                    outA, t4_hbm.at[pl.ds(gidA * 128, 128)], osemA
                )

            @pl.when(okB)
            def _():
                drain_in(gidB, inB, isemB)
                extract(inB, outB)
                pltpu.async_copy(
                    outB, t4_hbm.at[pl.ds(gidB * 128, 128)], osemB
                )

            @pl.when(okA)
            def _():
                pltpu.make_async_copy(
                    outA, t4_hbm.at[pl.ds(gidA * 128, 128)], osemA
                ).wait()

            @pl.when(okB)
            def _():
                pltpu.make_async_copy(
                    outB, t4_hbm.at[pl.ds(gidB * 128, 128)], osemB
                ).wait()

            return carry

        lax.fori_loop(0, per_w // 2, pair_body, 0)

        @pl.when(wid == NW - 1)
        def _():
            pltpu.sync_copy(tail_hbm, outA.at[pl.ds(0, n_tail)])
            pltpu.sync_copy(
                outA.at[pl.ds(0, n_tail)], t4_hbm.at[pl.ds(NG * 128, n_tail)]
            )

    return transpose_kernel(tableT, tail)


def _gather_rows(table, idx_flat):
    BF = idx_flat.shape[0]
    info = plsc.get_sparse_core_info()
    NC, NS = info.num_cores, info.num_subcores
    NW = NC * NS
    per_w = BF // NW
    C = 3328
    assert per_w % C == 0
    n_chunks = per_w // C
    mesh = plsc.VectorSubcoreMesh(core_axis_name="c", subcore_axis_name="s")

    @functools.partial(
        pl.kernel,
        out_type=jax.ShapeDtypeStruct((BF, _D), jnp.float32),
        mesh=mesh,
        scratch_types=[
            pltpu.VMEM((C,), jnp.int32),
            pltpu.VMEM((C, _D), jnp.float32),
            pltpu.SemaphoreType.DMA,
        ],
        compiler_params=pltpu.CompilerParams(use_tc_tiling_on_sc=False),
    )
    def gather_kernel(idx_hbm, table_hbm, out_hbm, idx_v, rows_v, sem):
        wid = lax.axis_index("s") * NC + lax.axis_index("c")
        for i in range(n_chunks):
            base = wid * per_w + i * C
            pltpu.sync_copy(idx_hbm.at[pl.ds(base, C)], idx_v)
            pltpu.async_copy(table_hbm.at[idx_v], rows_v, sem).wait()
            pltpu.sync_copy(rows_v, out_hbm.at[pl.ds(base, C)])

    return gather_kernel(idx_flat, table)


def _mlp_transposed(g4, W1d, b1d, W2d, b2t, F, B):
    Q = B // 4

    def body(g_ref, w1_ref, b1_ref, w2_ref, b2_ref, o_ref):
        g = g_ref[0]
        h = jnp.dot(g, w1_ref[...], preferred_element_type=jnp.float32)
        h = jnp.maximum(h + b1_ref[...], 0.0)
        ot = jax.lax.dot_general(
            w2_ref[...], h, (((0,), (1,)), ((), ())),
            preferred_element_type=jnp.float32,
        )
        ot = ot + b2_ref[...]
        for r in range(4):
            o_ref[0, :, r * Q : (r + 1) * Q] = ot[r * _H2 : (r + 1) * _H2, :]

    return pl.pallas_call(
        body,
        grid=(F,),
        in_specs=[
            pl.BlockSpec((1, Q, 4 * _D), lambda f: (f, 0, 0)),
            pl.BlockSpec((4 * _D, 4 * _H1), lambda f: (0, 0)),
            pl.BlockSpec((1, 4 * _H1), lambda f: (0, 0)),
            pl.BlockSpec((4 * _H1, 4 * _H2), lambda f: (0, 0)),
            pl.BlockSpec((4 * _H2, 1), lambda f: (0, 0)),
        ],
        out_specs=pl.BlockSpec((1, _H2, B), lambda f: (f, 0, 0)),
        out_shape=jax.ShapeDtypeStruct((F, _H2, B), jnp.float32),
    )(g4, W1d, b1d, W2d, b2t)


def _block_diag4(W):
    a, b = W.shape
    out = jnp.zeros((4 * a, 4 * b), dtype=W.dtype)
    for r in range(4):
        out = out.at[r * a : (r + 1) * a, r * b : (r + 1) * b].set(W)
    return out


def kernel(x, table, W1, b1, W2, b2):
    B, F = x.shape
    Q = B // 4
    idx_flat = (
        x.T.reshape(F, 4, Q).transpose(0, 2, 1).reshape(-1).astype(jnp.int32)
    )
    table_rm = _detile_table(table).reshape(table.shape[0], _D)
    g = _gather_rows(table_rm, idx_flat)
    g4 = g.reshape(F, Q, 4 * _D)
    W1d = _block_diag4(W1)
    W2d = _block_diag4(W2)
    b1d = jnp.tile(b1, 4).reshape(1, 4 * _H1)
    b2t = jnp.tile(b2, 4).reshape(4 * _H2, 1)
    o3 = _mlp_transposed(g4, W1d, b1d, W2d, b2t, F, B)
    return o3.transpose(2, 0, 1)

# --- scband reference (transcript-rebuilt; emitter-appended) ---
"""Pipeline reference for scband-discrete-torso-72602127171756 (READ-ONLY COPY).

The authoritative reference and input builder live on the scoring server;
editing this copy changes nothing except your own understanding.
"""

import jax, jax.numpy as jnp
import numpy as np

VOCAB = 1000000
EMBED_DIM = 32
BATCH = 16384
FIELDS = 26
H1 = 64
H2 = 32


def setup_inputs(seed: int = 0) -> dict:
    key = jax.random.key(seed)
    k1, k2, k3, k4 = jax.random.split(key, 4)
    indices = jax.random.randint(k1, (BATCH, FIELDS), 0, VOCAB)
    table = jax.random.normal(k2, (VOCAB, EMBED_DIM), dtype=jnp.float32) * 0.02
    W1 = jax.random.normal(k3, (EMBED_DIM, H1), dtype=jnp.float32) * (1.0 / np.sqrt(EMBED_DIM))
    b1 = jnp.zeros((H1,), dtype=jnp.float32)
    W2 = jax.random.normal(k4, (H1, H2), dtype=jnp.float32) * (1.0 / np.sqrt(H1))
    b2 = jnp.zeros((H2,), dtype=jnp.float32)
    return {"x": indices, "table": table, "W1": W1, "b1": b1, "W2": W2, "b2": b2}


def reference(x, table, W1, b1, W2, b2):
    # hk.Embed: embedding gather
    h = jnp.take(table, x, axis=0)  # [B, F, embed_dim]
    # hk.nets.MLP(output_sizes=[64, 32]): relu between layers, no final activation
    h = jax.nn.relu(h @ W1 + b1)
    out = h @ W2 + b2
    return out

if __name__ == "__main__":
    import jax
    _d = setup_inputs()
    print(jax.jit(kernel)(*tuple(_d.values())))

</pallas_src>

<mosaic_0001>
#map = affine_map<(d0, d1) -> (0, 0)>
module attributes {stable_mosaic.version = 14 : i64} {
  func.func @transpose_kernel(%arg0: i32, %arg1: i32, %arg2: memref<32x1000000xf32, #tpu.memory_space<hbm>>, %arg3: memref<16x128xf32, #tpu.memory_space<hbm>>, %arg4: memref<250000x128xf32, #tpu.memory_space<hbm>>, %arg5: memref<128x128xf32, #tpu.memory_space<vmem>>, %arg6: memref<128x128xf32, #tpu.memory_space<vmem>>, %arg7: memref<128x128xf32, #tpu.memory_space<vmem>>, %arg8: memref<128x128xf32, #tpu.memory_space<vmem>>, %arg9: memref<!tpu.dma_semaphore, #tpu.memory_space<semaphore_mem>>, %arg10: memref<!tpu.dma_semaphore, #tpu.memory_space<semaphore_mem>>, %arg11: memref<!tpu.dma_semaphore, #tpu.memory_space<semaphore_mem>>, %arg12: memref<!tpu.dma_semaphore, #tpu.memory_space<semaphore_mem>>) attributes {dimension_semantics = [#tpu.dimension_semantics<core_parallel>, #tpu.dimension_semantics<subcore_parallel>], iteration_bounds = array<i64: 2, 16>, scalar_prefetch = 0 : i64, scratch_operands = 8 : i64, tpu.core_type = #tpu.core_type<sc_vector_subcore>, window_params = [{transform_indices = #map}, {transform_indices = #map}, {transform_indices = #map}]} {
    %mul3A = arith.constant 2 : i32
    %mul3A_0 = arith.muli %arg1, %mul3A : i32
    %add3A = arith.addi %mul3A_0, %arg0 : i32
    %iota3A = tpu.iota {dimensions = array<i32: 0>} : vector<16xi32>
    %add3A_1 = arith.constant 0 : i32
    %add3A_2 = vector.broadcast %add3A_1 : i32 to vector<16xi32>
    %add3A_3 = arith.addi %iota3A, %add3A_2 : vector<16xi32>
    %and3A = arith.constant 15 : i32
    %and3A_4 = vector.broadcast %and3A : i32 to vector<16xi32>
    %and3A_5 = arith.andi %add3A_3, %and3A_4 : vector<16xi32>
    %add3A_6 = arith.constant 1 : i32
    %add3A_7 = vector.broadcast %add3A_6 : i32 to vector<16xi32>
    %add3A_8 = arith.addi %iota3A, %add3A_7 : vector<16xi32>
    %and3A_9 = arith.constant 15 : i32
    %and3A_10 = vector.broadcast %and3A_9 : i32 to vector<16xi32>
    %and3A_11 = arith.andi %add3A_8, %and3A_10 : vector<16xi32>
    %add3A_12 = arith.constant 2 : i32
    %add3A_13 = vector.broadcast %add3A_12 : i32 to vector<16xi32>
    %add3A_14 = arith.addi %iota3A, %add3A_13 : vector<16xi32>
    %and3A_15 = arith.constant 15 : i32
    %and3A_16 = vector.broadcast %and3A_15 : i32 to vector<16xi32>
    %and3A_17 = arith.andi %add3A_14, %and3A_16 : vector<16xi32>
    %add3A_18 = arith.constant 3 : i32
    %add3A_19 = vector.broadcast %add3A_18 : i32 to vector<16xi32>
    %add3A_20 = arith.addi %iota3A, %add3A_19 : vector<16xi32>
    %and3A_21 = arith.constant 15 : i32
    %and3A_22 = vector.broadcast %and3A_21 : i32 to vector<16xi32>
    %and3A_23 = arith.andi %add3A_20, %and3A_22 : vector<16xi32>
    %add3A_24 = arith.constant 4 : i32
    %add3A_25 = vector.broadcast %add3A_24 : i32 to vector<16xi32>
    %add3A_26 = arith.addi %iota3A, %add3A_25 : vector<16xi32>
    %and3A_27 = arith.constant 15 : i32
    %and3A_28 = vector.broadcast %and3A_27 : i32 to vector<16xi32>
    %and3A_29 = arith.andi %add3A_26, %and3A_28 : vector<16xi32>
    %add3A_30 = arith.constant 5 : i32
    %add3A_31 = vector.broadcast %add3A_30 : i32 to vector<16xi32>
    %add3A_32 = arith.addi %iota3A, %add3A_31 : vector<16xi32>
    %and3A_33 = arith.constant 15 : i32
    %and3A_34 = vector.broadcast %and3A_33 : i32 to vector<16xi32>
    %and3A_35 = arith.andi %add3A_32, %and3A_34 : vector<16xi32>
    %add3A_36 = arith.constant 6 : i32
    %add3A_37 = vector.broadcast %add3A_36 : i32 to vector<16xi32>
    %add3A_38 = arith.addi %iota3A, %add3A_37 : vector<16xi32>
    %and3A_39 = arith.constant 15 : i32
    %and3A_40 = vector.broadcast %and3A_39 : i32 to vector<16xi32>
    %and3A_41 = arith.andi %add3A_38, %and3A_40 : vector<16xi32>
    %add3A_42 = arith.constant 7 : i32
    %add3A_43 = vector.broadcast %add3A_42 : i32 to vector<16xi32>
    %add3A_44 = arith.addi %iota3A, %add3A_43 : vector<16xi32>
    %and3A_45 = arith.constant 15 : i32
    %and3A_46 = vector.broadcast %and3A_45 : i32 to vector<16xi32>
    %and3A_47 = arith.andi %add3A_44, %and3A_46 : vector<16xi32>
    %add3A_48 = arith.constant 8 : i32
    %add3A_49 = vector.broadcast %add3A_48 : i32 to vector<16xi32>
    %add3A_50 = arith.addi %iota3A, %add3A_49 : vector<16xi32>
    %and3A_51 = arith.constant 15 : i32
    %and3A_52 = vector.broadcast %and3A_51 : i32 to vector<16xi32>
    %and3A_53 = arith.andi %add3A_50, %and3A_52 : vector<16xi32>
    %add3A_54 = arith.constant 9 : i32
    %add3A_55 = vector.broadcast %add3A_54 : i32 to vector<16xi32>
    %add3A_56 = arith.addi %iota3A, %add3A_55 : vector<16xi32>
    %and3A_57 = arith.constant 15 : i32
    %and3A_58 = vector.broadcast %and3A_57 : i32 to vector<16xi32>
    %and3A_59 = arith.andi %add3A_56, %and3A_58 : vector<16xi32>
    %add3A_60 = arith.constant 10 : i32
    %add3A_61 = vector.broadcast %add3A_60 : i32 to vector<16xi32>
    %add3A_62 = arith.addi %iota3A, %add3A_61 : vector<16xi32>
    %and3A_63 = arith.constant 15 : i32
    %and3A_64 = vector.broadcast %and3A_63 : i32 to vector<16xi32>
    %and3A_65 = arith.andi %add3A_62, %and3A_64 : vector<16xi32>
    %add3A_66 = arith.constant 11 : i32
    %add3A_67 = vector.broadcast %add3A_66 : i32 to vector<16xi32>
    %add3A_68 = arith.addi %iota3A, %add3A_67 : vector<16xi32>
    %and3A_69 = arith.constant 15 : i32
    %and3A_70 = vector.broadcast %and3A_69 : i32 to vector<16xi32>
    %and3A_71 = arith.andi %add3A_68, %and3A_70 : vector<16xi32>
    %add3A_72 = arith.constant 12 : i32
    %add3A_73 = vector.broadcast %add3A_72 : i32 to vector<16xi32>
    %add3A_74 = arith.addi %iota3A, %add3A_73 : vector<16xi32>
    %and3A_75 = arith.constant 15 : i32
    %and3A_76 = vector.broadcast %and3A_75 : i32 to vector<16xi32>
    %and3A_77 = arith.andi %add3A_74, %and3A_76 : vector<16xi32>
    %add3A_78 = arith.constant 13 : i32
    %add3A_79 = vector.broadcast %add3A_78 : i32 to vector<16xi32>
    %add3A_80 = arith.addi %iota3A, %add3A_79 : vector<16xi32>
    %and3A_81 = arith.constant 15 : i32
    %and3A_82 = vector.broadcast %and3A_81 : i32 to vector<16xi32>
    %and3A_83 = arith.andi %add3A_80, %and3A_82 : vector<16xi32>
    %add3A_84 = arith.constant 14 : i32
    %add3A_85 = vector.broadcast %add3A_84 : i32 to vector<16xi32>
    %add3A_86 = arith.addi %iota3A, %add3A_85 : vector<16xi32>
    %and3A_87 = arith.constant 15 : i32
    %and3A_88 = vector.broadcast %and3A_87 : i32 to vector<16xi32>
    %and3A_89 = arith.andi %add3A_86, %and3A_88 : vector<16xi32>
    %add3A_90 = arith.constant 15 : i32
    %add3A_91 = vector.broadcast %add3A_90 : i32 to vector<16xi32>
    %add3A_92 = arith.addi %iota3A, %add3A_91 : vector<16xi32>
    %and3A_93 = arith.constant 15 : i32
    %and3A_94 = vector.broadcast %and3A_93 : i32 to vector<16xi32>
    %and3A_95 = arith.andi %add3A_92, %and3A_94 : vector<16xi32>
    %mul3A_96 = arith.constant 32 : i32
    %mul3A_97 = vector.broadcast %mul3A_96 : i32 to vector<16xi32>
    %mul3A_98 = arith.muli %and3A_5, %mul3A_97 : vector<16xi32>
    %add3A_99 = arith.addi %mul3A_98, %iota3A : vector<16xi32>
    %mul3A_100 = arith.constant 32 : i32
    %mul3A_101 = vector.broadcast %mul3A_100 : i32 to vector<16xi32>
    %mul3A_102 = arith.muli %and3A_11, %mul3A_101 : vector<16xi32>
    %add3A_103 = arith.addi %mul3A_102, %iota3A : vector<16xi32>
    %mul3A_104 = arith.constant 32 : i32
    %mul3A_105 = vector.broadcast %mul3A_104 : i32 to vector<16xi32>
    %mul3A_106 = arith.muli %and3A_17, %mul3A_105 : vector<16xi32>
    %add3A_107 = arith.addi %mul3A_106, %iota3A : vector<16xi32>
    %mul3A_108 = arith.constant 32 : i32
    %mul3A_109 = vector.broadcast %mul3A_108 : i32 to vector<16xi32>
    %mul3A_110 = arith.muli %and3A_23, %mul3A_109 : vector<16xi32>
    %add3A_111 = arith.addi %mul3A_110, %iota3A : vector<16xi32>
    %mul3A_112 = arith.constant 32 : i32
    %mul3A_113 = vector.broadcast %mul3A_112 : i32 to vector<16xi32>
    %mul3A_114 = arith.muli %and3A_29, %mul3A_113 : vector<16xi32>
    %add3A_115 = arith.addi %mul3A_114, %iota3A : vector<16xi32>
    %mul3A_116 = arith.constant 32 : i32
    %mul3A_117 = vector.broadcast %mul3A_116 : i32 to vector<16xi32>
    %mul3A_118 = arith.muli %and3A_35, %mul3A_117 : vector<16xi32>
    %add3A_119 = arith.addi %mul3A_118, %iota3A : vector<16xi32>
    %mul3A_120 = arith.constant 32 : i32
    %mul3A_121 = vector.broadcast %mul3A_120 : i32 to vector<16xi32>
    %mul3A_122 = arith.muli %and3A_41, %mul3A_121 : vector<16xi32>
    %add3A_123 = arith.addi %mul3A_122, %iota3A : vector<16xi32>
    %mul3A_124 = arith.constant 32 : i32
    %mul3A_125 = vector.broadcast %mul3A_124 : i32 to vector<16xi32>
    %mul3A_126 = arith.muli %and3A_47, %mul3A_125 : vector<16xi32>
    %add3A_127 = arith.addi %mul3A_126, %iota3A : vector<16xi32>
    %mul3A_128 = arith.constant 32 : i32
    %mul3A_129 = vector.broadcast %mul3A_128 : i32 to vector<16xi32>
    %mul3A_130 = arith.muli %and3A_53, %mul3A_129 : vector<16xi32>
    %add3A_131 = arith.addi %mul3A_130, %iota3A : vector<16xi32>
    %mul3A_132 = arith.constant 32 : i32
    %mul3A_133 = vector.broadcast %mul3A_132 : i32 to vector<16xi32>
    %mul3A_134 = arith.muli %and3A_59, %mul3A_133 : vector<16xi32>
    %add3A_135 = arith.addi %mul3A_134, %iota3A : vector<16xi32>
    %mul3A_136 = arith.constant 32 : i32
    %mul3A_137 = vector.broadcast %mul3A_136 : i32 to vector<16xi32>
    %mul3A_138 = arith.muli %and3A_65, %mul3A_137 : vector<16xi32>
    %add3A_139 = arith.addi %mul3A_138, %iota3A : vector<16xi32>
    %mul3A_140 = arith.constant 32 : i32
    %mul3A_141 = vector.broadcast %mul3A_140 : i32 to vector<16xi32>
    %mul3A_142 = arith.muli %and3A_71, %mul3A_141 : vector<16xi32>
    %add3A_143 = arith.addi %mul3A_142, %iota3A : vector<16xi32>
    %mul3A_144 = arith.constant 32 : i32
    %mul3A_145 = vector.broadcast %mul3A_144 : i32 to vector<16xi32>
    %mul3A_146 = arith.muli %and3A_77, %mul3A_145 : vector<16xi32>
    %add3A_147 = arith.addi %mul3A_146, %iota3A : vector<16xi32>
    %mul3A_148 = arith.constant 32 : i32
    %mul3A_149 = vector.broadcast %mul3A_148 : i32 to vector<16xi32>
    %mul3A_150 = arith.muli %and3A_83, %mul3A_149 : vector<16xi32>
    %add3A_151 = arith.addi %mul3A_150, %iota3A : vector<16xi32>
    %mul3A_152 = arith.constant 32 : i32
    %mul3A_153 = vector.broadcast %mul3A_152 : i32 to vector<16xi32>
    %mul3A_154 = arith.muli %and3A_89, %mul3A_153 : vector<16xi32>
    %add3A_155 = arith.addi %mul3A_154, %iota3A : vector<16xi32>
    %mul3A_156 = arith.constant 32 : i32
    %mul3A_157 = vector.broadcast %mul3A_156 : i32 to vector<16xi32>
    %mul3A_158 = arith.muli %and3A_95, %mul3A_157 : vector<16xi32>
    %add3A_159 = arith.addi %mul3A_158, %iota3A : vector<16xi32>
    %scan3A = arith.constant 0 : i32
    %scan3A_160 = arith.constant 0 : i32
    %scan3A_161 = arith.constant 31 : i32
    %scan3A_162 = arith.addi %scan3A_160, %scan3A_161 : i32
    %scan3A_163 = arith.constant 1 : i32
    scf.for %scan3A_167 = %scan3A_160 to %scan3A_162 step %scan3A_163  : i32 {
      %mul3A_168 = arith.constant 62 : i32
      %mul3A_169 = arith.muli %add3A, %mul3A_168 : i32
      %mul3A_170 = arith.constant 2 : i32
      %mul3A_171 = arith.muli %mul3A_170, %scan3A_167 : i32
      %add3A_172 = arith.addi %mul3A_169, %mul3A_171 : i32
      %add3A_173 = arith.constant 1 : i32
      %add3A_174 = arith.addi %add3A_172, %add3A_173 : i32
      %lt3A = arith.constant 1953 : i32
      %lt3A_175 = arith.cmpi slt, %add3A_172, %lt3A : i32
      %lt3A_176 = arith.constant 1953 : i32
      %lt3A_177 = arith.cmpi slt, %add3A_174, %lt3A_176 : i32
      %convert_element_type3A_178 = arith.extui %lt3A_175 : i1 to i32
      %cond3A_179 = arith.constant 0 : i32
      %cond3A_180 = arith.cmpi ne, %convert_element_type3A_178, %cond3A_179 : i32
      scf.if %cond3A_180 {
        %mul3A_196 = arith.constant 512 : i32
        %mul3A_197 = arith.muli %add3A_172, %mul3A_196 : i32
        %add3A_198 = arith.constant 0 : i32
        %add3A_199 = arith.addi %mul3A_197, %add3A_198 : i32
        %dma_start3A = arith.constant 0 : i32
        %dma_start3A_200 = arith.constant 0 : i32
        %dma_start3A_201 = tpu.memref_slice %arg5[%dma_start3A, %dma_start3A_200] : memref<128x128xf32, #tpu.memory_space<vmem>> -> memref<32x128xf32, #tpu.memory_space<vmem>>
        %dma_start3A_202 = arith.constant 0 : i32
        %dma_start3A_203 = tpu.memref_slice %arg2[%dma_start3A_202, %add3A_199] : memref<32x1000000xf32, #tpu.memory_space<hbm>> -> memref<32x128xf32, #tpu.memory_space<hbm>>
        %dma_start3A_204 = arith.constant 0 : i32
        %dma_start3A_205 = arith.constant 0 : i32
        %dma_start3A_206 = tpu.memref_slice %arg5[%dma_start3A_204, %dma_start3A_205] : memref<128x128xf32, #tpu.memory_space<vmem>> -> memref<32x128xf32, #tpu.memory_space<vmem>>
        %dma_start3A_207 = arith.constant 0 : i32
        %dma_start3A_208 = tpu.memref_slice %arg2[%dma_start3A_207, %add3A_199] : memref<32x1000000xf32, #tpu.memory_space<hbm>> -> memref<32x128xf32, #tpu.memory_space<hbm>>
        tpu.enqueue_dma source(%dma_start3A_208 : memref<32x128xf32, #tpu.memory_space<hbm>>) target(%dma_start3A_206 : memref<32x128xf32, #tpu.memory_space<vmem>>) target_semaphore(%arg9 : memref<!tpu.dma_semaphore, #tpu.memory_space<semaphore_mem>>)
        %add3A_209 = arith.constant 128 : i32
        %add3A_210 = arith.addi %mul3A_197, %add3A_209 : i32
        %dma_start3A_211 = arith.constant 32 : i32
        %dma_start3A_212 = arith.constant 0 : i32
        %dma_start3A_213 = tpu.memref_slice %arg5[%dma_start3A_211, %dma_start3A_212] : memref<128x128xf32, #tpu.memory_space<vmem>> -> memref<32x128xf32, #tpu.memory_space<vmem>>
        %dma_start3A_214 = arith.constant 0 : i32
        %dma_start3A_215 = tpu.memref_slice %arg2[%dma_start3A_214, %add3A_210] : memref<32x1000000xf32, #tpu.memory_space<hbm>> -> memref<32x128xf32, #tpu.memory_space<hbm>>
        %dma_start3A_216 = arith.constant 32 : i32
        %dma_start3A_217 = arith.constant 0 : i32
        %dma_start3A_218 = tpu.memref_slice %arg5[%dma_start3A_216, %dma_start3A_217] : memref<128x128xf32, #tpu.memory_space<vmem>> -> memref<32x128xf32, #tpu.memory_space<vmem>>
        %dma_start3A_219 = arith.constant 0 : i32
        %dma_start3A_220 = tpu.memref_slice %arg2[%dma_start3A_219, %add3A_210] : memref<32x1000000xf32, #tpu.memory_space<hbm>> -> memref<32x128xf32, #tpu.memory_space<hbm>>
        tpu.enqueue_dma source(%dma_start3A_220 : memref<32x128xf32, #tpu.memory_space<hbm>>) target(%dma_start3A_218 : memref<32x128xf32, #tpu.memory_space<vmem>>) target_semaphore(%arg9 : memref<!tpu.dma_semaphore, #tpu.memory_space<semaphore_mem>>)
        %add3A_221 = arith.constant 256 : i32
        %add3A_222 = arith.addi %mul3A_197, %add3A_221 : i32
        %dma_start3A_223 = arith.constant 64 : i32
        %dma_start3A_224 = arith.constant 0 : i32
        %dma_start3A_225 = tpu.memref_slice %arg5[%dma_start3A_223, %dma_start3A_224] : memref<128x128xf32, #tpu.memory_space<vmem>> -> memref<32x128xf32, #tpu.memory_space<vmem>>
        %dma_start3A_226 = arith.constant 0 : i32
        %dma_start3A_227 = tpu.memref_slice %arg2[%dma_start3A_226, %add3A_222] : memref<32x1000000xf32, #tpu.memory_space<hbm>> -> memref<32x128xf32, #tpu.memory_space<hbm>>
        %dma_start3A_228 = arith.constant 64 : i32
        %dma_start3A_229 = arith.constant 0 : i32
        %dma_start3A_230 = tpu.memref_slice %arg5[%dma_start3A_228, %dma_start3A_229] : memref<128x128xf32, #tpu.memory_space<vmem>> -> memref<32x128xf32, #tpu.memory_space<vmem>>
        %dma_start3A_231 = arith.constant 0 : i32
        %dma_start3A_232 = tpu.memref_slice %arg2[%dma_start3A_231, %add3A_222] : memref<32x1000000xf32, #tpu.memory_space<hbm>> -> memref<32x128xf32, #tpu.memory_space<hbm>>
        tpu.enqueue_dma source(%dma_start3A_232 : memref<32x128xf32, #tpu.memory_space<hbm>>) target(%dma_start3A_230 : memref<32x128xf32, #tpu.memory_space<vmem>>) target_semaphore(%arg9 : memref<!tpu.dma_semaphore, #tpu.memory_space<semaphore_mem>>)
        %add3A_233 = arith.constant 384 : i32
        %add3A_234 = arith.addi %mul3A_197, %add3A_233 : i32
        %dma_start3A_235 = arith.constant 96 : i32
        %dma_start3A_236 = arith.constant 0 : i32
        %dma_start3A_237 = tpu.memref_slice %arg5[%dma_start3A_235, %dma_start3A_236] : memref<128x128xf32, #tpu.memory_space<vmem>> -> memref<32x128xf32, #tpu.memory_space<vmem>>
        %dma_start3A_238 = arith.constant 0 : i32
        %dma_start3A_239 = tpu.memref_slice %arg2[%dma_start3A_238, %add3A_234] : memref<32x1000000xf32, #tpu.memory_space<hbm>> -> memref<32x128xf32, #tpu.memory_space<hbm>>
        %dma_start3A_240 = arith.constant 96 : i32
        %dma_start3A_241 = arith.constant 0 : i32
        %dma_start3A_242 = tpu.memref_slice %arg5[%dma_start3A_240, %dma_start3A_241] : memref<128x128xf32, #tpu.memory_space<vmem>> -> memref<32x128xf32, #tpu.memory_space<vmem>>
        %dma_start3A_243 = arith.constant 0 : i32
        %dma_start3A_244 = tpu.memref_slice %arg2[%dma_start3A_243, %add3A_234] : memref<32x1000000xf32, #tpu.memory_space<hbm>> -> memref<32x128xf32, #tpu.memory_space<hbm>>
        tpu.enqueue_dma source(%dma_start3A_244 : memref<32x128xf32, #tpu.memory_space<hbm>>) target(%dma_start3A_242 : memref<32x128xf32, #tpu.memory_space<vmem>>) target_semaphore(%arg9 : memref<!tpu.dma_semaphore, #tpu.memory_space<semaphore_mem>>)
      } else {
      }
      %convert_element_type3A_181 = arith.extui %lt3A_177 : i1 to i32
      %cond3A_182 = arith.constant 0 : i32
      %cond3A_183 = arith.cmpi ne, %convert_element_type3A_181, %cond3A_182 : i32
      scf.if %cond3A_183 {
        %mul3A_196 = arith.constant 512 : i32
        %mul3A_197 = arith.muli %add3A_174, %mul3A_196 : i32
        %add3A_198 = arith.constant 0 : i32
        %add3A_199 = arith.addi %mul3A_197, %add3A_198 : i32
        %dma_start3A = arith.constant 0 : i32
        %dma_start3A_200 = arith.constant 0 : i32
        %dma_start3A_201 = tpu.memref_slice %arg6[%dma_start3A, %dma_start3A_200] : memref<128x128xf32, #tpu.memory_space<vmem>> -> memref<32x128xf32, #tpu.memory_space<vmem>>
        %dma_start3A_202 = arith.constant 0 : i32
        %dma_start3A_203 = tpu.memref_slice %arg2[%dma_start3A_202, %add3A_199] : memref<32x1000000xf32, #tpu.memory_space<hbm>> -> memref<32x128xf32, #tpu.memory_space<hbm>>
        %dma_start3A_204 = arith.constant 0 : i32
        %dma_start3A_205 = arith.constant 0 : i32
        %dma_start3A_206 = tpu.memref_slice %arg6[%dma_start3A_204, %dma_start3A_205] : memref<128x128xf32, #tpu.memory_space<vmem>> -> memref<32x128xf32, #tpu.memory_space<vmem>>
        %dma_start3A_207 = arith.constant 0 : i32
        %dma_start3A_208 = tpu.memref_slice %arg2[%dma_start3A_207, %add3A_199] : memref<32x1000000xf32, #tpu.memory_space<hbm>> -> memref<32x128xf32, #tpu.memory_space<hbm>>
        tpu.enqueue_dma source(%dma_start3A_208 : memref<32x128xf32, #tpu.memory_space<hbm>>) target(%dma_start3A_206 : memref<32x128xf32, #tpu.memory_space<vmem>>) target_semaphore(%arg10 : memref<!tpu.dma_semaphore, #tpu.memory_space<semaphore_mem>>)
        %add3A_209 = arith.constant 128 : i32
        %add3A_210 = arith.addi %mul3A_197, %add3A_209 : i32
        %dma_start3A_211 = arith.constant 32 : i32
        %dma_start3A_212 = arith.constant 0 : i32
        %dma_start3A_213 = tpu.memref_slice %arg6[%dma_start3A_211, %dma_start3A_212] : memref<128x128xf32, #tpu.memory_space<vmem>> -> memref<32x128xf32, #tpu.memory_space<vmem>>
        %dma_start3A_214 = arith.constant 0 : i32
        %dma_start3A_215 = tpu.memref_slice %arg2[%dma_start3A_214, %add3A_210] : memref<32x1000000xf32, #tpu.memory_space<hbm>> -> memref<32x128xf32, #tpu.memory_space<hbm>>
        %dma_start3A_216 = arith.constant 32 : i32
        %dma_start3A_217 = arith.constant 0 : i32
        %dma_start3A_218 = tpu.memref_slice %arg6[%dma_start3A_216, %dma_start3A_217] : memref<128x128xf32, #tpu.memory_space<vmem>> -> memref<32x128xf32, #tpu.memory_space<vmem>>
        %dma_start3A_219 = arith.constant 0 : i32
        %dma_start3A_220 = tpu.memref_slice %arg2[%dma_start3A_219, %add3A_210] : memref<32x1000000xf32, #tpu.memory_space<hbm>> -> memref<32x128xf32, #tpu.memory_space<hbm>>
        tpu.enqueue_dma source(%dma_start3A_220 : memref<32x128xf32, #tpu.memory_space<hbm>>) target(%dma_start3A_218 : memref<32x128xf32, #tpu.memory_space<vmem>>) target_semaphore(%arg10 : memref<!tpu.dma_semaphore, #tpu.memory_space<semaphore_mem>>)
        %add3A_221 = arith.constant 256 : i32
        %add3A_222 = arith.addi %mul3A_197, %add3A_221 : i32
        %dma_start3A_223 = arith.constant 64 : i32
        %dma_start3A_224 = arith.constant 0 : i32
        %dma_start3A_225 = tpu.memref_slice %arg6[%dma_start3A_223, %dma_start3A_224] : memref<128x128xf32, #tpu.memory_space<vmem>> -> memref<32x128xf32, #tpu.memory_space<vmem>>
        %dma_start3A_226 = arith.constant 0 : i32
        %dma_start3A_227 = tpu.memref_slice %arg2[%dma_start3A_226, %add3A_222] : memref<32x1000000xf32, #tpu.memory_space<hbm>> -> memref<32x128xf32, #tpu.memory_space<hbm>>
        %dma_start3A_228 = arith.constant 64 : i32
        %dma_start3A_229 = arith.constant 0 : i32
        %dma_start3A_230 = tpu.memref_slice %arg6[%dma_start3A_228, %dma_start3A_229] : memref<128x128xf32, #tpu.memory_space<vmem>> -> memref<32x128xf32, #tpu.memory_space<vmem>>
        %dma_start3A_231 = arith.constant 0 : i32
        %dma_start3A_232 = tpu.memref_slice %arg2[%dma_start3A_231, %add3A_222] : memref<32x1000000xf32, #tpu.memory_space<hbm>> -> memref<32x128xf32, #tpu.memory_space<hbm>>
        tpu.enqueue_dma source(%dma_start3A_232 : memref<32x128xf32, #tpu.memory_space<hbm>>) target(%dma_start3A_230 : memref<32x128xf32, #tpu.memory_space<vmem>>) target_semaphore(%arg10 : memref<!tpu.dma_semaphore, #tpu.memory_space<semaphore_mem>>)
        %add3A_233 = arith.constant 384 : i32
        %add3A_234 = arith.addi %mul3A_197, %add3A_233 : i32
        %dma_start3A_235 = arith.constant 96 : i32
        %dma_start3A_236 = arith.constant 0 : i32
        %dma_start3A_237 = tpu.memref_slice %arg6[%dma_start3A_235, %dma_start3A_236] : memref<128x128xf32, #tpu.memory_space<vmem>> -> memref<32x128xf32, #tpu.memory_space<vmem>>
        %dma_start3A_238 = arith.constant 0 : i32
        %dma_start3A_239 = tpu.memref_slice %arg2[%dma_start3A_238, %add3A_234] : memref<32x1000000xf32, #tpu.memory_space<hbm>> -> memref<32x128xf32, #tpu.memory_space<hbm>>
        %dma_start3A_240 = arith.constant 96 : i32
        %dma_start3A_241 = arith.constant 0 : i32
        %dma_start3A_242 = tpu.memref_slice %arg6[%dma_start3A_240, %dma_start3A_241] : memref<128x128xf32, #tpu.memory_space<vmem>> -> memref<32x128xf32, #tpu.memory_space<vmem>>
        %dma_start3A_243 = arith.constant 0 : i32
        %dma_start3A_244 = tpu.memref_slice %arg2[%dma_start3A_243, %add3A_234] : memref<32x1000000xf32, #tpu.memory_space<hbm>> -> memref<32x128xf32, #tpu.memory_space<hbm>>
        tpu.enqueue_dma source(%dma_start3A_244 : memref<32x128xf32, #tpu.memory_space<hbm>>) target(%dma_start3A_242 : memref<32x128xf32, #tpu.memory_space<vmem>>) target_semaphore(%arg10 : memref<!tpu.dma_semaphore, #tpu.memory_space<semaphore_mem>>)
      } else {
      }
      %convert_element_type3A_184 = arith.extui %lt3A_175 : i1 to i32
      %cond3A_185 = arith.constant 0 : i32
      %cond3A_186 = arith.cmpi ne, %convert_element_type3A_184, %cond3A_185 : i32
      scf.if %cond3A_186 {
        %mul3A_196 = arith.constant 512 : i32
        %mul3A_197 = arith.muli %add3A_172, %mul3A_196 : i32
        %add3A_198 = arith.constant 0 : i32
        %add3A_199 = arith.addi %mul3A_197, %add3A_198 : i32
        %dma_wait3A = arith.constant 0 : i32
        %dma_wait3A_200 = arith.constant 0 : i32
        %dma_wait3A_201 = tpu.memref_slice %arg5[%dma_wait3A, %dma_wait3A_200] : memref<128x128xf32, #tpu.memory_space<vmem>> -> memref<32x128xf32, #tpu.memory_space<vmem>>
        %dma_wait3A_202 = arith.constant 0 : i32
        %dma_wait3A_203 = tpu.memref_slice %arg2[%dma_wait3A_202, %add3A_199] : memref<32x1000000xf32, #tpu.memory_space<hbm>> -> memref<32x128xf32, #tpu.memory_space<hbm>>
        %dma_wait3A_204 = arith.constant 0 : i32
        %dma_wait3A_205 = arith.constant 0 : i32
        %dma_wait3A_206 = tpu.memref_slice %arg5[%dma_wait3A_204, %dma_wait3A_205] : memref<128x128xf32, #tpu.memory_space<vmem>> -> memref<32x128xf32, #tpu.memory_space<vmem>>
        %dma_wait3A_207 = arith.constant 0 : i32
        %dma_wait3A_208 = tpu.memref_slice %arg2[%dma_wait3A_207, %add3A_199] : memref<32x1000000xf32, #tpu.memory_space<hbm>> -> memref<32x128xf32, #tpu.memory_space<hbm>>
        tpu.wait_dma2 semaphore(%arg9 : memref<!tpu.dma_semaphore, #tpu.memory_space<semaphore_mem>>) src(%dma_wait3A_208 : memref<32x128xf32, #tpu.memory_space<hbm>>) dst(%dma_wait3A_206 : memref<32x128xf32, #tpu.memory_space<vmem>>)
        %add3A_209 = arith.constant 128 : i32
        %add3A_210 = arith.addi %mul3A_197, %add3A_209 : i32
        %dma_wait3A_211 = arith.constant 32 : i32
        %dma_wait3A_212 = arith.constant 0 : i32
        %dma_wait3A_213 = tpu.memref_slice %arg5[%dma_wait3A_211, %dma_wait3A_212] : memref<128x128xf32, #tpu.memory_space<vmem>> -> memref<32x128xf32, #tpu.memory_space<vmem>>
        %dma_wait3A_214 = arith.constant 0 : i32
        %dma_wait3A_215 = tpu.memref_slice %arg2[%dma_wait3A_214, %add3A_210] : memref<32x1000000xf32, #tpu.memory_space<hbm>> -> memref<32x128xf32, #tpu.memory_space<hbm>>
        %dma_wait3A_216 = arith.constant 32 : i32
        %dma_wait3A_217 = arith.constant 0 : i32
        %dma_wait3A_218 = tpu.memref_slice %arg5[%dma_wait3A_216, %dma_wait3A_217] : memref<128x128xf32, #tpu.memory_space<vmem>> -> memref<32x128xf32, #tpu.memory_space<vmem>>
        %dma_wait3A_219 = arith.constant 0 : i32
        %dma_wait3A_220 = tpu.memref_slice %arg2[%dma_wait3A_219, %add3A_210] : memref<32x1000000xf32, #tpu.memory_space<hbm>> -> memref<32x128xf32, #tpu.memory_space<hbm>>
        tpu.wait_dma2 semaphore(%arg9 : memref<!tpu.dma_semaphore, #tpu.memory_space<semaphore_mem>>) src(%dma_wait3A_220 : memref<32x128xf32, #tpu.memory_space<hbm>>) dst(%dma_wait3A_218 : memref<32x128xf32, #tpu.memory_space<vmem>>)
        %add3A_221 = arith.constant 256 : i32
        %add3A_222 = arith.addi %mul3A_197, %add3A_221 : i32
        %dma_wait3A_223 = arith.constant 64 : i32
        %dma_wait3A_224 = arith.constant 0 : i32
        %dma_wait3A_225 = tpu.memref_slice %arg5[%dma_wait3A_223, %dma_wait3A_224] : memref<128x128xf32, #tpu.memory_space<vmem>> -> memref<32x128xf32, #tpu.memory_space<vmem>>
        %dma_wait3A_226 = arith.constant 0 : i32
        %dma_wait3A_227 = tpu.memref_slice %arg2[%dma_wait3A_226, %add3A_222] : memref<32x1000000xf32, #tpu.memory_space<hbm>> -> memref<32x128xf32, #tpu.memory_space<hbm>>
        %dma_wait3A_228 = arith.constant 64 : i32
        %dma_wait3A_229 = arith.constant 0 : i32
        %dma_wait3A_230 = tpu.memref_slice %arg5[%dma_wait3A_228, %dma_wait3A_229] : memref<128x128xf32, #tpu.memory_space<vmem>> -> memref<32x128xf32, #tpu.memory_space<vmem>>
        %dma_wait3A_231 = arith.constant 0 : i32
        %dma_wait3A_232 = tpu.memref_slice %arg2[%dma_wait3A_231, %add3A_222] : memref<32x1000000xf32, #tpu.memory_space<hbm>> -> memref<32x128xf32, #tpu.memory_space<hbm>>
        tpu.wait_dma2 semaphore(%arg9 : memref<!tpu.dma_semaphore, #tpu.memory_space<semaphore_mem>>) src(%dma_wait3A_232 : memref<32x128xf32, #tpu.memory_space<hbm>>) dst(%dma_wait3A_230 : memref<32x128xf32, #tpu.memory_space<vmem>>)
        %add3A_233 = arith.constant 384 : i32
        %add3A_234 = arith.addi %mul3A_197, %add3A_233 : i32
        %dma_wait3A_235 = arith.constant 96 : i32
        %dma_wait3A_236 = arith.constant 0 : i32
        %dma_wait3A_237 = tpu.memref_slice %arg5[%dma_wait3A_235, %dma_wait3A_236] : memref<128x128xf32, #tpu.memory_space<vmem>> -> memref<32x128xf32, #tpu.memory_space<vmem>>
        %dma_wait3A_238 = arith.constant 0 : i32
        %dma_wait3A_239 = tpu.memref_slice %arg2[%dma_wait3A_238, %add3A_234] : memref<32x1000000xf32, #tpu.memory_space<hbm>> -> memref<32x128xf32, #tpu.memory_space<hbm>>
        %dma_wait3A_240 = arith.constant 96 : i32
        %dma_wait3A_241 = arith.constant 0 : i32
        %dma_wait3A_242 = tpu.memref_slice %arg5[%dma_wait3A_240, %dma_wait3A_241] : memref<128x128xf32, #tpu.memory_space<vmem>> -> memref<32x128xf32, #tpu.memory_space<vmem>>
        %dma_wait3A_243 = arith.constant 0 : i32
        %dma_wait3A_244 = tpu.memref_slice %arg2[%dma_wait3A_243, %add3A_234] : memref<32x1000000xf32, #tpu.memory_space<hbm>> -> memref<32x128xf32, #tpu.memory_space<hbm>>
        tpu.wait_dma2 semaphore(%arg9 : memref<!tpu.dma_semaphore, #tpu.memory_space<semaphore_mem>>) src(%dma_wait3A_244 : memref<32x128xf32, #tpu.memory_space<hbm>>) dst(%dma_wait3A_242 : memref<32x128xf32, #tpu.memory_space<vmem>>)
        %scan3A_245 = arith.constant 0 : i32
        %scan3A_246 = arith.constant 0 : i32
        %scan3A_247 = arith.constant 64 : i32
        %scan3A_248 = arith.addi %scan3A_246, %scan3A_247 : i32
        %scan3A_249 = arith.constant 1 : i32
        scf.for %scan3A_256 = %scan3A_246 to %scan3A_248 step %scan3A_249  : i32 {
          %shift_right_arithmetic3A = arith.constant 4 : i32
          %shift_right_arithmetic3A_257 = arith.shrsi %scan3A_256, %shift_right_arithmetic3A : i32
          %shift_right_arithmetic3A_258 = arith.constant 3 : i32
          %shift_right_arithmetic3A_259 = arith.shrsi %scan3A_256, %shift_right_arithmetic3A_258 : i32
          %and3A_260 = arith.constant 1 : i32
          %and3A_261 = arith.andi %shift_right_arithmetic3A_259, %and3A_260 : i32
          %and3A_262 = arith.constant 7 : i32
          %and3A_263 = arith.andi %scan3A_256, %and3A_262 : i32
          %mul3A_264 = arith.constant 16 : i32
          %mul3A_265 = arith.muli %and3A_263, %mul3A_264 : i32
          %mul3A_266 = arith.constant 32 : i32
          %mul3A_267 = arith.muli %shift_right_arithmetic3A_257, %mul3A_266 : i32
          %mul3A_268 = arith.constant 16 : i32
          %mul3A_269 = arith.muli %and3A_261, %mul3A_268 : i32
          %add3A_270 = arith.addi %mul3A_267, %mul3A_269 : i32
          %add3A_271 = vector.broadcast %add3A_270 : i32 to vector<16xi32>
          %add3A_272 = arith.addi %add3A_271, %iota3A : vector<16xi32>
          %mul3A_273 = arith.constant 4096 : i32
          %mul3A_274 = arith.muli %shift_right_arithmetic3A_257, %mul3A_273 : i32
          %mul3A_275 = arith.constant 32 : i32
          %mul3A_276 = arith.muli %mul3A_265, %mul3A_275 : i32
          %add3A_277 = arith.addi %mul3A_274, %mul3A_276 : i32
          %mul3A_278 = arith.constant 16 : i32
          %mul3A_279 = arith.muli %and3A_261, %mul3A_278 : i32
          %add3A_280 = arith.addi %add3A_277, %mul3A_279 : i32
          %add3A_281 = vector.broadcast %mul3A_265 : i32 to vector<16xi32>
          %add3A_282 = arith.addi %add3A_281, %and3A_5 : vector<16xi32>
          %gather3A = tpu.vector_load_idx %arg5[%add3A_272, %add3A_282] : memref<128x128xf32, #tpu.memory_space<vmem>>[vector<16xi32>, vector<16xi32>], vector<16xf32>,
          %add3A_283 = vector.broadcast %mul3A_265 : i32 to vector<16xi32>
          %add3A_284 = arith.addi %add3A_283, %and3A_11 : vector<16xi32>
          %gather3A_285 = tpu.vector_load_idx %arg5[%add3A_272, %add3A_284] : memref<128x128xf32, #tpu.memory_space<vmem>>[vector<16xi32>, vector<16xi32>], vector<16xf32>,
          %add3A_286 = vector.broadcast %mul3A_265 : i32 to vector<16xi32>
          %add3A_287 = arith.addi %add3A_286, %and3A_17 : vector<16xi32>
          %gather3A_288 = tpu.vector_load_idx %arg5[%add3A_272, %add3A_287] : memref<128x128xf32, #tpu.memory_space<vmem>>[vector<16xi32>, vector<16xi32>], vector<16xf32>,
          %add3A_289 = vector.broadcast %mul3A_265 : i32 to vector<16xi32>
          %add3A_290 = arith.addi %add3A_289, %and3A_23 : vector<16xi32>
          %gather3A_291 = tpu.vector_load_idx %arg5[%add3A_272, %add3A_290] : memref<128x128xf32, #tpu.memory_space<vmem>>[vector<16xi32>, vector<16xi32>], vector<16xf32>,
          %add3A_292 = vector.broadcast %mul3A_265 : i32 to vector<16xi32>
          %add3A_293 = arith.addi %add3A_292, %and3A_29 : vector<16xi32>
          %gather3A_294 = tpu.vector_load_idx %arg5[%add3A_272, %add3A_293] : memref<128x128xf32, #tpu.memory_space<vmem>>[vector<16xi32>, vector<16xi32>], vector<16xf32>,
          %add3A_295 = vector.broadcast %mul3A_265 : i32 to vector<16xi32>
          %add3A_296 = arith.addi %add3A_295, %and3A_35 : vector<16xi32>
          %gather3A_297 = tpu.vector_load_idx %arg5[%add3A_272, %add3A_296] : memref<128x128xf32, #tpu.memory_space<vmem>>[vector<16xi32>, vector<16xi32>], vector<16xf32>,
          %add3A_298 = vector.broadcast %mul3A_265 : i32 to vector<16xi32>
          %add3A_299 = arith.addi %add3A_298, %and3A_41 : vector<16xi32>
          %gather3A_300 = tpu.vector_load_idx %arg5[%add3A_272, %add3A_299] : memref<128x128xf32, #tpu.memory_space<vmem>>[vector<16xi32>, vector<16xi32>], vector<16xf32>,
          %add3A_301 = vector.broadcast %mul3A_265 : i32 to vector<16xi32>
          %add3A_302 = arith.addi %add3A_301, %and3A_47 : vector<16xi32>
          %gather3A_303 = tpu.vector_load_idx %arg5[%add3A_272, %add3A_302] : memref<128x128xf32, #tpu.memory_space<vmem>>[vector<16xi32>, vector<16xi32>], vector<16xf32>,
          %add3A_304 = vector.broadcast %add3A_280 : i32 to vector<16xi32>
          %add3A_305 = arith.addi %add3A_304, %add3A_99 : vector<16xi32>
          %shift_right_arithmetic3A_306 = arith.constant 7 : i32
          %shift_right_arithmetic3A_307 = vector.broadcast %shift_right_arithmetic3A_306 : i32 to vector<16xi32>
          %shift_right_arithmetic3A_308 = arith.shrsi %add3A_305, %shift_right_arithmetic3A_307 : vector<16xi32>
          %and3A_309 = arith.constant 127 : i32
          %and3A_310 = vector.broadcast %and3A_309 : i32 to vector<16xi32>
          %and3A_311 = arith.andi %add3A_305, %and3A_310 : vector<16xi32>
          tpu.vector_store_idx %arg7[%shift_right_arithmetic3A_308, %and3A_311], %gather3A : memref<128x128xf32, #tpu.memory_space<vmem>>[vector<16xi32>, vector<16xi32>], vector<16xf32>,
          %add3A_312 = vector.broadcast %add3A_280 : i32 to vector<16xi32>
          %add3A_313 = arith.addi %add3A_312, %add3A_103 : vector<16xi32>
          %shift_right_arithmetic3A_314 = arith.constant 7 : i32
          %shift_right_arithmetic3A_315 = vector.broadcast %shift_right_arithmetic3A_314 : i32 to vector<16xi32>
          %shift_right_arithmetic3A_316 = arith.shrsi %add3A_313, %shift_right_arithmetic3A_315 : vector<16xi32>
          %and3A_317 = arith.constant 127 : i32
          %and3A_318 = vector.broadcast %and3A_317 : i32 to vector<16xi32>
          %and3A_319 = arith.andi %add3A_313, %and3A_318 : vector<16xi32>
          tpu.vector_store_idx %arg7[%shift_right_arithmetic3A_316, %and3A_319], %gather3A_285 : memref<128x128xf32, #tpu.memory_space<vmem>>[vector<16xi32>, vector<16xi32>], vector<16xf32>,
          %add3A_320 = vector.broadcast %add3A_280 : i32 to vector<16xi32>
          %add3A_321 = arith.addi %add3A_320, %add3A_107 : vector<16xi32>
          %shift_right_arithmetic3A_322 = arith.constant 7 : i32
          %shift_right_arithmetic3A_323 = vector.broadcast %shift_right_arithmetic3A_322 : i32 to vector<16xi32>
          %shift_right_arithmetic3A_324 = arith.shrsi %add3A_321, %shift_right_arithmetic3A_323 : vector<16xi32>
          %and3A_325 = arith.constant 127 : i32
          %and3A_326 = vector.broadcast %and3A_325 : i32 to vector<16xi32>
          %and3A_327 = arith.andi %add3A_321, %and3A_326 : vector<16xi32>
          tpu.vector_store_idx %arg7[%shift_right_arithmetic3A_324, %and3A_327], %gather3A_288 : memref<128x128xf32, #tpu.memory_space<vmem>>[vector<16xi32>, vector<16xi32>], vector<16xf32>,
          %add3A_328 = vector.broadcast %add3A_280 : i32 to vector<16xi32>
          %add3A_329 = arith.addi %add3A_328, %add3A_111 : vector<16xi32>
          %shift_right_arithmetic3A_330 = arith.constant 7 : i32
          %shift_right_arithmetic3A_331 = vector.broadcast %shift_right_arithmetic3A_330 : i32 to vector<16xi32>
          %shift_right_arithmetic3A_332 = arith.shrsi %add3A_329, %shift_right_arithmetic3A_331 : vector<16xi32>
          %and3A_333 = arith.constant 127 : i32
          %and3A_334 = vector.broadcast %and3A_333 : i32 to vector<16xi32>
          %and3A_335 = arith.andi %add3A_329, %and3A_334 : vector<16xi32>
          tpu.vector_store_idx %arg7[%shift_right_arithmetic3A_332, %and3A_335], %gather3A_291 : memref<128x128xf32, #tpu.memory_space<vmem>>[vector<16xi32>, vector<16xi32>], vector<16xf32>,
          %add3A_336 = vector.broadcast %add3A_280 : i32 to vector<16xi32>
          %add3A_337 = arith.addi %add3A_336, %add3A_115 : vector<16xi32>
          %shift_right_arithmetic3A_338 = arith.constant 7 : i32
          %shift_right_arithmetic3A_339 = vector.broadcast %shift_right_arithmetic3A_338 : i32 to vector<16xi32>
          %shift_right_arithmetic3A_340 = arith.shrsi %add3A_337, %shift_right_arithmetic3A_339 : vector<16xi32>
          %and3A_341 = arith.constant 127 : i32
          %and3A_342 = vector.broadcast %and3A_341 : i32 to vector<16xi32>
          %and3A_343 = arith.andi %add3A_337, %and3A_342 : vector<16xi32>
          tpu.vector_store_idx %arg7[%shift_right_arithmetic3A_340, %and3A_343], %gather3A_294 : memref<128x128xf32, #tpu.memory_space<vmem>>[vector<16xi32>, vector<16xi32>], vector<16xf32>,
          %add3A_344 = vector.broadcast %add3A_280 : i32 to vector<16xi32>
          %add3A_345 = arith.addi %add3A_344, %add3A_119 : vector<16xi32>
          %shift_right_arithmetic3A_346 = arith.constant 7 : i32
          %shift_right_arithmetic3A_347 = vector.broadcast %shift_right_arithmetic3A_346 : i32 to vector<16xi32>
          %shift_right_arithmetic3A_348 = arith.shrsi %add3A_345, %shift_right_arithmetic3A_347 : vector<16xi32>
          %and3A_349 = arith.constant 127 : i32
          %and3A_350 = vector.broadcast %and3A_349 : i32 to vector<16xi32>
          %and3A_351 = arith.andi %add3A_345, %and3A_350 : vector<16xi32>
          tpu.vector_store_idx %arg7[%shift_right_arithmetic3A_348, %and3A_351], %gather3A_297 : memref<128x128xf32, #tpu.memory_space<vmem>>[vector<16xi32>, vector<16xi32>], vector<16xf32>,
          %add3A_352 = vector.broadcast %add3A_280 : i32 to vector<16xi32>
          %add3A_353 = arith.addi %add3A_352, %add3A_123 : vector<16xi32>
          %shift_right_arithmetic3A_354 = arith.constant 7 : i32
          %shift_right_arithmetic3A_355 = vector.broadcast %shift_right_arithmetic3A_354 : i32 to vector<16xi32>
          %shift_right_arithmetic3A_356 = arith.shrsi %add3A_353, %shift_right_arithmetic3A_355 : vector<16xi32>
          %and3A_357 = arith.constant 127 : i32
          %and3A_358 = vector.broadcast %and3A_357 : i32 to vector<16xi32>
          %and3A_359 = arith.andi %add3A_353, %and3A_358 : vector<16xi32>
          tpu.vector_store_idx %arg7[%shift_right_arithmetic3A_356, %and3A_359], %gather3A_300 : memref<128x128xf32, #tpu.memory_space<vmem>>[vector<16xi32>, vector<16xi32>], vector<16xf32>,
          %add3A_360 = vector.broadcast %add3A_280 : i32 to vector<16xi32>
          %add3A_361 = arith.addi %add3A_360, %add3A_127 : vector<16xi32>
          %shift_right_arithmetic3A_362 = arith.constant 7 : i32
          %shift_right_arithmetic3A_363 = vector.broadcast %shift_right_arithmetic3A_362 : i32 to vector<16xi32>
          %shift_right_arithmetic3A_364 = arith.shrsi %add3A_361, %shift_right_arithmetic3A_363 : vector<16xi32>
          %and3A_365 = arith.constant 127 : i32
          %and3A_366 = vector.broadcast %and3A_365 : i32 to vector<16xi32>
          %and3A_367 = arith.andi %add3A_361, %and3A_366 : vector<16xi32>
          tpu.vector_store_idx %arg7[%shift_right_arithmetic3A_364, %and3A_367], %gather3A_303 : memref<128x128xf32, #tpu.memory_space<vmem>>[vector<16xi32>, vector<16xi32>], vector<16xf32>,
          %add3A_368 = vector.broadcast %mul3A_265 : i32 to vector<16xi32>
          %add3A_369 = arith.addi %add3A_368, %and3A_53 : vector<16xi32>
          %gather3A_370 = tpu.vector_load_idx %arg5[%add3A_272, %add3A_369] : memref<128x128xf32, #tpu.memory_space<vmem>>[vector<16xi32>, vector<16xi32>], vector<16xf32>,
          %add3A_371 = vector.broadcast %mul3A_265 : i32 to vector<16xi32>
          %add3A_372 = arith.addi %add3A_371, %and3A_59 : vector<16xi32>
          %gather3A_373 = tpu.vector_load_idx %arg5[%add3A_272, %add3A_372] : memref<128x128xf32, #tpu.memory_space<vmem>>[vector<16xi32>, vector<16xi32>], vector<16xf32>,
          %add3A_374 = vector.broadcast %mul3A_265 : i32 to vector<16xi32>
          %add3A_375 = arith.addi %add3A_374, %and3A_65 : vector<16xi32>
          %gather3A_376 = tpu.vector_load_idx %arg5[%add3A_272, %add3A_375] : memref<128x128xf32, #tpu.memory_space<vmem>>[vector<16xi32>, vector<16xi32>], vector<16xf32>,
          %add3A_377 = vector.broadcast %mul3A_265 : i32 to vector<16xi32>
          %add3A_378 = arith.addi %add3A_377, %and3A_71 : vector<16xi32>
          %gather3A_379 = tpu.vector_load_idx %arg5[%add3A_272, %add3A_378] : memref<128x128xf32, #tpu.memory_space<vmem>>[vector<16xi32>, vector<16xi32>], vector<16xf32>,
          %add3A_380 = vector.broadcast %mul3A_265 : i32 to vector<16xi32>
          %add3A_381 = arith.addi %add3A_380, %and3A_77 : vector<16xi32>
          %gather3A_382 = tpu.vector_load_idx %arg5[%add3A_272, %add3A_381] : memref<128x128xf32, #tpu.memory_space<vmem>>[vector<16xi32>, vector<16xi32>], vector<16xf32>,
          %add3A_383 = vector.broadcast %mul3A_265 : i32 to vector<16xi32>
          %add3A_384 = arith.addi %add3A_383, %and3A_83 : vector<16xi32>
          %gather3A_385 = tpu.vector_load_idx %arg5[%add3A_272, %add3A_384] : memref<128x128xf32, #tpu.memory_space<vmem>>[vector<16xi32>, vector<16xi32>], vector<16xf32>,
          %add3A_386 = vector.broadcast %mul3A_265 : i32 to vector<16xi32>
          %add3A_387 = arith.addi %add3A_386, %and3A_89 : vector<16xi32>
          %gather3A_388 = tpu.vector_load_idx %arg5[%add3A_272, %add3A_387] : memref<128x128xf32, #tpu.memory_space<vmem>>[vector<16xi32>, vector<16xi32>], vector<16xf32>,
          %add3A_389 = vector.broadcast %mul3A_265 : i32 to vector<16xi32>
          %add3A_390 = arith.addi %add3A_389, %and3A_95 : vector<16xi32>
          %gather3A_391 = tpu.vector_load_idx %arg5[%add3A_272, %add3A_390] : memref<128x128xf32, #tpu.memory_space<vmem>>[vector<16xi32>, vector<16xi32>], vector<16xf32>,
          %add3A_392 = vector.broadcast %add3A_280 : i32 to vector<16xi32>
          %add3A_393 = arith.addi %add3A_392, %add3A_131 : vector<16xi32>
          %shift_right_arithmetic3A_394 = arith.constant 7 : i32
          %shift_right_arithmetic3A_395 = vector.broadcast %shift_right_arithmetic3A_394 : i32 to vector<16xi32>
          %shift_right_arithmetic3A_396 = arith.shrsi %add3A_393, %shift_right_arithmetic3A_395 : vector<16xi32>
          %and3A_397 = arith.constant 127 : i32
          %and3A_398 = vector.broadcast %and3A_397 : i32 to vector<16xi32>
          %and3A_399 = arith.andi %add3A_393, %and3A_398 : vector<16xi32>
          tpu.vector_store_idx %arg7[%shift_right_arithmetic3A_396, %and3A_399], %gather3A_370 : memref<128x128xf32, #tpu.memory_space<vmem>>[vector<16xi32>, vector<16xi32>], vector<16xf32>,
          %add3A_400 = vector.broadcast %add3A_280 : i32 to vector<16xi32>
          %add3A_401 = arith.addi %add3A_400, %add3A_135 : vector<16xi32>
          %shift_right_arithmetic3A_402 = arith.constant 7 : i32
          %shift_right_arithmetic3A_403 = vector.broadcast %shift_right_arithmetic3A_402 : i32 to vector<16xi32>
          %shift_right_arithmetic3A_404 = arith.shrsi %add3A_401, %shift_right_arithmetic3A_403 : vector<16xi32>
          %and3A_405 = arith.constant 127 : i32
          %and3A_406 = vector.broadcast %and3A_405 : i32 to vector<16xi32>
          %and3A_407 = arith.andi %add3A_401, %and3A_406 : vector<16xi32>
          tpu.vector_store_idx %arg7[%shift_right_arithmetic3A_404, %and3A_407], %gather3A_373 : memref<128x128xf32, #tpu.memory_space<vmem>>[vector<16xi32>, vector<16xi32>], vector<16xf32>,
          %add3A_408 = vector.broadcast %add3A_280 : i32 to vector<16xi32>
          %add3A_409 = arith.addi %add3A_408, %add3A_139 : vector<16xi32>
          %shift_right_arithmetic3A_410 = arith.constant 7 : i32
          %shift_right_arithmetic3A_411 = vector.broadcast %shift_right_arithmetic3A_410 : i32 to vector<16xi32>
          %shift_right_arithmetic3A_412 = arith.shrsi %add3A_409, %shift_right_arithmetic3A_411 : vector<16xi32>
          %and3A_413 = arith.constant 127 : i32
          %and3A_414 = vector.broadcast %and3A_413 : i32 to vector<16xi32>
          %and3A_415 = arith.andi %add3A_409, %and3A_414 : vector<16xi32>
          tpu.vector_store_idx %arg7[%shift_right_arithmetic3A_412, %and3A_415], %gather3A_376 : memref<128x128xf32, #tpu.memory_space<vmem>>[vector<16xi32>, vector<16xi32>], vector<16xf32>,
          %add3A_416 = vector.broadcast %add3A_280 : i32 to vector<16xi32>
          %add3A_417 = arith.addi %add3A_416, %add3A_143 : vector<16xi32>
          %shift_right_arithmetic3A_418 = arith.constant 7 : i32
          %shift_right_arithmetic3A_419 = vector.broadcast %shift_right_arithmetic3A_418 : i32 to vector<16xi32>
          %shift_right_arithmetic3A_420 = arith.shrsi %add3A_417, %shift_right_arithmetic3A_419 : vector<16xi32>
          %and3A_421 = arith.constant 127 : i32
          %and3A_422 = vector.broadcast %and3A_421 : i32 to vector<16xi32>
          %and3A_423 = arith.andi %add3A_417, %and3A_422 : vector<16xi32>
          tpu.vector_store_idx %arg7[%shift_right_arithmetic3A_420, %and3A_423], %gather3A_379 : memref<128x128xf32, #tpu.memory_space<vmem>>[vector<16xi32>, vector<16xi32>], vector<16xf32>,
          %add3A_424 = vector.broadcast %add3A_280 : i32 to vector<16xi32>
          %add3A_425 = arith.addi %add3A_424, %add3A_147 : vector<16xi32>
          %shift_right_arithmetic3A_426 = arith.constant 7 : i32
          %shift_right_arithmetic3A_427 = vector.broadcast %shift_right_arithmetic3A_426 : i32 to vector<16xi32>
          %shift_right_arithmetic3A_428 = arith.shrsi %add3A_425, %shift_right_arithmetic3A_427 : vector<16xi32>
          %and3A_429 = arith.constant 127 : i32
          %and3A_430 = vector.broadcast %and3A_429 : i32 to vector<16xi32>
          %and3A_431 = arith.andi %add3A_425, %and3A_430 : vector<16xi32>
          tpu.vector_store_idx %arg7[%shift_right_arithmetic3A_428, %and3A_431], %gather3A_382 : memref<128x128xf32, #tpu.memory_space<vmem>>[vector<16xi32>, vector<16xi32>], vector<16xf32>,
          %add3A_432 = vector.broadcast %add3A_280 : i32 to vector<16xi32>
          %add3A_433 = arith.addi %add3A_432, %add3A_151 : vector<16xi32>
          %shift_right_arithmetic3A_434 = arith.constant 7 : i32
          %shift_right_arithmetic3A_435 = vector.broadcast %shift_right_arithmetic3A_434 : i32 to vector<16xi32>
          %shift_right_arithmetic3A_436 = arith.shrsi %add3A_433, %shift_right_arithmetic3A_435 : vector<16xi32>
          %and3A_437 = arith.constant 127 : i32
          %and3A_438 = vector.broadcast %and3A_437 : i32 to vector<16xi32>
          %and3A_439 = arith.andi %add3A_433, %and3A_438 : vector<16xi32>
          tpu.vector_store_idx %arg7[%shift_right_arithmetic3A_436, %and3A_439], %gather3A_385 : memref<128x128xf32, #tpu.memory_space<vmem>>[vector<16xi32>, vector<16xi32>], vector<16xf32>,
          %add3A_440 = vector.broadcast %add3A_280 : i32 to vector<16xi32>
          %add3A_441 = arith.addi %add3A_440, %add3A_155 : vector<16xi32>
          %shift_right_arithmetic3A_442 = arith.constant 7 : i32
          %shift_right_arithmetic3A_443 = vector.broadcast %shift_right_arithmetic3A_442 : i32 to vector<16xi32>
          %shift_right_arithmetic3A_444 = arith.shrsi %add3A_441, %shift_right_arithmetic3A_443 : vector<16xi32>
          %and3A_445 = arith.constant 127 : i32
          %and3A_446 = vector.broadcast %and3A_445 : i32 to vector<16xi32>
          %and3A_447 = arith.andi %add3A_441, %and3A_446 : vector<16xi32>
          tpu.vector_store_idx %arg7[%shift_right_arithmetic3A_444, %and3A_447], %gather3A_388 : memref<128x128xf32, #tpu.memory_space<vmem>>[vector<16xi32>, vector<16xi32>], vector<16xf32>,
          %add3A_448 = vector.broadcast %add3A_280 : i32 to vector<16xi32>
          %add3A_449 = arith.addi %add3A_448, %add3A_159 : vector<16xi32>
          %shift_right_arithmetic3A_450 = arith.constant 7 : i32
          %shift_right_arithmetic3A_451 = vector.broadcast %shift_right_arithmetic3A_450 : i32 to vector<16xi32>
          %shift_right_arithmetic3A_452 = arith.shrsi %add3A_449, %shift_right_arithmetic3A_451 : vector<16xi32>
          %and3A_453 = arith.constant 127 : i32
          %and3A_454 = vector.broadcast %and3A_453 : i32 to vector<16xi32>
          %and3A_455 = arith.andi %add3A_449, %and3A_454 : vector<16xi32>
          tpu.vector_store_idx %arg7[%shift_right_arithmetic3A_452, %and3A_455], %gather3A_391 : memref<128x128xf32, #tpu.memory_space<vmem>>[vector<16xi32>, vector<16xi32>], vector<16xf32>,
        }
        %scan3A_250 = arith.constant 64 : i32
        %mul3A_251 = arith.constant 128 : i32
        %mul3A_252 = arith.muli %add3A_172, %mul3A_251 : i32
        %dma_start3A = arith.constant 0 : i32
        %dma_start3A_253 = tpu.memref_slice %arg4[%mul3A_252, %dma_start3A] : memref<250000x128xf32, #tpu.memory_space<hbm>> -> memref<128x128xf32, #tpu.memory_space<hbm>>
        %dma_start3A_254 = arith.constant 0 : i32
        %dma_start3A_255 = tpu.memref_slice %arg4[%mul3A_252, %dma_start3A_254] : memref<250000x128xf32, #tpu.memory_space<hbm>> -> memref<128x128xf32, #tpu.memory_space<hbm>>
        tpu.enqueue_dma source(%arg7 : memref<128x128xf32, #tpu.memory_space<vmem>>) target(%dma_start3A_255 : memref<128x128xf32, #tpu.memory_space<hbm>>) target_semaphore(%arg11 : memref<!tpu.dma_semaphore, #tpu.memory_space<semaphore_mem>>)
      } else {
      }
      %convert_element_type3A_187 = arith.extui %lt3A_177 : i1 to i32
      %cond3A_188 = arith.constant 0 : i32
      %cond3A_189 = arith.cmpi ne, %convert_element_type3A_187, %cond3A_188 : i32
      scf.if %cond3A_189 {
        %mul3A_196 = arith.constant 512 : i32
        %mul3A_197 = arith.muli %add3A_174, %mul3A_196 : i32
        %add3A_198 = arith.constant 0 : i32
        %add3A_199 = arith.addi %mul3A_197, %add3A_198 : i32
        %dma_wait3A = arith.constant 0 : i32
        %dma_wait3A_200 = arith.constant 0 : i32
        %dma_wait3A_201 = tpu.memref_slice %arg6[%dma_wait3A, %dma_wait3A_200] : memref<128x128xf32, #tpu.memory_space<vmem>> -> memref<32x128xf32, #tpu.memory_space<vmem>>
        %dma_wait3A_202 = arith.constant 0 : i32
        %dma_wait3A_203 = tpu.memref_slice %arg2[%dma_wait3A_202, %add3A_199] : memref<32x1000000xf32, #tpu.memory_space<hbm>> -> memref<32x128xf32, #tpu.memory_space<hbm>>
        %dma_wait3A_204 = arith.constant 0 : i32
        %dma_wait3A_205 = arith.constant 0 : i32
        %dma_wait3A_206 = tpu.memref_slice %arg6[%dma_wait3A_204, %dma_wait3A_205] : memref<128x128xf32, #tpu.memory_space<vmem>> -> memref<32x128xf32, #tpu.memory_space<vmem>>
        %dma_wait3A_207 = arith.constant 0 : i32
        %dma_wait3A_208 = tpu.memref_slice %arg2[%dma_wait3A_207, %add3A_199] : memref<32x1000000xf32, #tpu.memory_space<hbm>> -> memref<32x128xf32, #tpu.memory_space<hbm>>
        tpu.wait_dma2 semaphore(%arg10 : memref<!tpu.dma_semaphore, #tpu.memory_space<semaphore_mem>>) src(%dma_wait3A_208 : memref<32x128xf32, #tpu.memory_space<hbm>>) dst(%dma_wait3A_206 : memref<32x128xf32, #tpu.memory_space<vmem>>)
        %add3A_209 = arith.constant 128 : i32
        %add3A_210 = arith.addi %mul3A_197, %add3A_209 : i32
        %dma_wait3A_211 = arith.constant 32 : i32
        %dma_wait3A_212 = arith.constant 0 : i32
        %dma_wait3A_213 = tpu.memref_slice %arg6[%dma_wait3A_211, %dma_wait3A_212] : memref<128x128xf32, #tpu.memory_space<vmem>> -> memref<32x128xf32, #tpu.memory_space<vmem>>
        %dma_wait3A_214 = arith.constant 0 : i32
        %dma_wait3A_215 = tpu.memref_slice %arg2[%dma_wait3A_214, %add3A_210] : memref<32x1000000xf32, #tpu.memory_space<hbm>> -> memref<32x128xf32, #tpu.memory_space<hbm>>
        %dma_wait3A_216 = arith.constant 32 : i32
        %dma_wait3A_217 = arith.constant 0 : i32
        %dma_wait3A_218 = tpu.memref_slice %arg6[%dma_wait3A_216, %dma_wait3A_217] : memref<128x128xf32, #tpu.memory_space<vmem>> -> memref<32x128xf32, #tpu.memory_space<vmem>>
        %dma_wait3A_219 = arith.constant 0 : i32
        %dma_wait3A_220 = tpu.memref_slice %arg2[%dma_wait3A_219, %add3A_210] : memref<32x1000000xf32, #tpu.memory_space<hbm>> -> memref<32x128xf32, #tpu.memory_space<hbm>>
        tpu.wait_dma2 semaphore(%arg10 : memref<!tpu.dma_semaphore, #tpu.memory_space<semaphore_mem>>) src(%dma_wait3A_220 : memref<32x128xf32, #tpu.memory_space<hbm>>) dst(%dma_wait3A_218 : memref<32x128xf32, #tpu.memory_space<vmem>>)
        %add3A_221 = arith.constant 256 : i32
        %add3A_222 = arith.addi %mul3A_197, %add3A_221 : i32
        %dma_wait3A_223 = arith.constant 64 : i32
        %dma_wait3A_224 = arith.constant 0 : i32
        %dma_wait3A_225 = tpu.memref_slice %arg6[%dma_wait3A_223, %dma_wait3A_224] : memref<128x128xf32, #tpu.memory_space<vmem>> -> memref<32x128xf32, #tpu.memory_space<vmem>>
        %dma_wait3A_226 = arith.constant 0 : i32
        %dma_wait3A_227 = tpu.memref_slice %arg2[%dma_wait3A_226, %add3A_222] : memref<32x1000000xf32, #tpu.memory_space<hbm>> -> memref<32x128xf32, #tpu.memory_space<hbm>>
        %dma_wait3A_228 = arith.constant 64 : i32
        %dma_wait3A_229 = arith.constant 0 : i32
        %dma_wait3A_230 = tpu.memref_slice %arg6[%dma_wait3A_228, %dma_wait3A_229] : memref<128x128xf32, #tpu.memory_space<vmem>> -> memref<32x128xf32, #tpu.memory_space<vmem>>
        %dma_wait3A_231 = arith.constant 0 : i32
        %dma_wait3A_232 = tpu.memref_slice %arg2[%dma_wait3A_231, %add3A_222] : memref<32x1000000xf32, #tpu.memory_space<hbm>> -> memref<32x128xf32, #tpu.memory_space<hbm>>
        tpu.wait_dma2 semaphore(%arg10 : memref<!tpu.dma_semaphore, #tpu.memory_space<semaphore_mem>>) src(%dma_wait3A_232 : memref<32x128xf32, #tpu.memory_space<hbm>>) dst(%dma_wait3A_230 : memref<32x128xf32, #tpu.memory_space<vmem>>)
        %add3A_233 = arith.constant 384 : i32
        %add3A_234 = arith.addi %mul3A_197, %add3A_233 : i32
        %dma_wait3A_235 = arith.constant 96 : i32
        %dma_wait3A_236 = arith.constant 0 : i32
        %dma_wait3A_237 = tpu.memref_slice %arg6[%dma_wait3A_235, %dma_wait3A_236] : memref<128x128xf32, #tpu.memory_space<vmem>> -> memref<32x128xf32, #tpu.memory_space<vmem>>
        %dma_wait3A_238 = arith.constant 0 : i32
        %dma_wait3A_239 = tpu.memref_slice %arg2[%dma_wait3A_238, %add3A_234] : memref<32x1000000xf32, #tpu.memory_space<hbm>> -> memref<32x128xf32, #tpu.memory_space<hbm>>
        %dma_wait3A_240 = arith.constant 96 : i32
        %dma_wait3A_241 = arith.constant 0 : i32
        %dma_wait3A_242 = tpu.memref_slice %arg6[%dma_wait3A_240, %dma_wait3A_241] : memref<128x128xf32, #tpu.memory_space<vmem>> -> memref<32x128xf32, #tpu.memory_space<vmem>>
        %dma_wait3A_243 = arith.constant 0 : i32
        %dma_wait3A_244 = tpu.memref_slice %arg2[%dma_wait3A_243, %add3A_234] : memref<32x1000000xf32, #tpu.memory_space<hbm>> -> memref<32x128xf32, #tpu.memory_space<hbm>>
        tpu.wait_dma2 semaphore(%arg10 : memref<!tpu.dma_semaphore, #tpu.memory_space<semaphore_mem>>) src(%dma_wait3A_244 : memref<32x128xf32, #tpu.memory_space<hbm>>) dst(%dma_wait3A_242 : memref<32x128xf32, #tpu.memory_space<vmem>>)
        %scan3A_245 = arith.constant 0 : i32
        %scan3A_246 = arith.constant 0 : i32
        %scan3A_247 = arith.constant 64 : i32
        %scan3A_248 = arith.addi %scan3A_246, %scan3A_247 : i32
        %scan3A_249 = arith.constant 1 : i32
        scf.for %scan3A_256 = %scan3A_246 to %scan3A_248 step %scan3A_249  : i32 {
          %shift_right_arithmetic3A = arith.constant 4 : i32
          %shift_right_arithmetic3A_257 = arith.shrsi %scan3A_256, %shift_right_arithmetic3A : i32
          %shift_right_arithmetic3A_258 = arith.constant 3 : i32
          %shift_right_arithmetic3A_259 = arith.shrsi %scan3A_256, %shift_right_arithmetic3A_258 : i32
          %and3A_260 = arith.constant 1 : i32
          %and3A_261 = arith.andi %shift_right_arithmetic3A_259, %and3A_260 : i32
          %and3A_262 = arith.constant 7 : i32
          %and3A_263 = arith.andi %scan3A_256, %and3A_262 : i32
          %mul3A_264 = arith.constant 16 : i32
          %mul3A_265 = arith.muli %and3A_263, %mul3A_264 : i32
          %mul3A_266 = arith.constant 32 : i32
          %mul3A_267 = arith.muli %shift_right_arithmetic3A_257, %mul3A_266 : i32
          %mul3A_268 = arith.constant 16 : i32
          %mul3A_269 = arith.muli %and3A_261, %mul3A_268 : i32
          %add3A_270 = arith.addi %mul3A_267, %mul3A_269 : i32
          %add3A_271 = vector.broadcast %add3A_270 : i32 to vector<16xi32>
          %add3A_272 = arith.addi %add3A_271, %iota3A : vector<16xi32>
          %mul3A_273 = arith.constant 4096 : i32
          %mul3A_274 = arith.muli %shift_right_arithmetic3A_257, %mul3A_273 : i32
          %mul3A_275 = arith.constant 32 : i32
          %mul3A_276 = arith.muli %mul3A_265, %mul3A_275 : i32
          %add3A_277 = arith.addi %mul3A_274, %mul3A_276 : i32
          %mul3A_278 = arith.constant 16 : i32
          %mul3A_279 = arith.muli %and3A_261, %mul3A_278 : i32
          %add3A_280 = arith.addi %add3A_277, %mul3A_279 : i32
          %add3A_281 = vector.broadcast %mul3A_265 : i32 to vector<16xi32>
          %add3A_282 = arith.addi %add3A_281, %and3A_5 : vector<16xi32>
          %gather3A = tpu.vector_load_idx %arg6[%add3A_272, %add3A_282] : memref<128x128xf32, #tpu.memory_space<vmem>>[vector<16xi32>, vector<16xi32>], vector<16xf32>,
          %add3A_283 = vector.broadcast %mul3A_265 : i32 to vector<16xi32>
          %add3A_284 = arith.addi %add3A_283, %and3A_11 : vector<16xi32>
          %gather3A_285 = tpu.vector_load_idx %arg6[%add3A_272, %add3A_284] : memref<128x128xf32, #tpu.memory_space<vmem>>[vector<16xi32>, vector<16xi32>], vector<16xf32>,
          %add3A_286 = vector.broadcast %mul3A_265 : i32 to vector<16xi32>
          %add3A_287 = arith.addi %add3A_286, %and3A_17 : vector<16xi32>
          %gather3A_288 = tpu.vector_load_idx %arg6[%add3A_272, %add3A_287] : memref<128x128xf32, #tpu.memory_space<vmem>>[vector<16xi32>, vector<16xi32>], vector<16xf32>,
          %add3A_289 = vector.broadcast %mul3A_265 : i32 to vector<16xi32>
          %add3A_290 = arith.addi %add3A_289, %and3A_23 : vector<16xi32>
          %gather3A_291 = tpu.vector_load_idx %arg6[%add3A_272, %add3A_290] : memref<128x128xf32, #tpu.memory_space<vmem>>[vector<16xi32>, vector<16xi32>], vector<16xf32>,
          %add3A_292 = vector.broadcast %mul3A_265 : i32 to vector<16xi32>
          %add3A_293 = arith.addi %add3A_292, %and3A_29 : vector<16xi32>
          %gather3A_294 = tpu.vector_load_idx %arg6[%add3A_272, %add3A_293] : memref<128x128xf32, #tpu.memory_space<vmem>>[vector<16xi32>, vector<16xi32>], vector<16xf32>,
          %add3A_295 = vector.broadcast %mul3A_265 : i32 to vector<16xi32>
          %add3A_296 = arith.addi %add3A_295, %and3A_35 : vector<16xi32>
          %gather3A_297 = tpu.vector_load_idx %arg6[%add3A_272, %add3A_296] : memref<128x128xf32, #tpu.memory_space<vmem>>[vector<16xi32>, vector<16xi32>], vector<16xf32>,
          %add3A_298 = vector.broadcast %mul3A_265 : i32 to vector<16xi32>
          %add3A_299 = arith.addi %add3A_298, %and3A_41 : vector<16xi32>
          %gather3A_300 = tpu.vector_load_idx %arg6[%add3A_272, %add3A_299] : memref<128x128xf32, #tpu.memory_space<vmem>>[vector<16xi32>, vector<16xi32>], vector<16xf32>,
          %add3A_301 = vector.broadcast %mul3A_265 : i32 to vector<16xi32>
          %add3A_302 = arith.addi %add3A_301, %and3A_47 : vector<16xi32>
          %gather3A_303 = tpu.vector_load_idx %arg6[%add3A_272, %add3A_302] : memref<128x128xf32, #tpu.memory_space<vmem>>[vector<16xi32>, vector<16xi32>], vector<16xf32>,
          %add3A_304 = vector.broadcast %add3A_280 : i32 to vector<16xi32>
          %add3A_305 = arith.addi %add3A_304, %add3A_99 : vector<16xi32>
          %shift_right_arithmetic3A_306 = arith.constant 7 : i32
          %shift_right_arithmetic3A_307 = vector.broadcast %shift_right_arithmetic3A_306 : i32 to vector<16xi32>
          %shift_right_arithmetic3A_308 = arith.shrsi %add3A_305, %shift_right_arithmetic3A_307 : vector<16xi32>
          %and3A_309 = arith.constant 127 : i32
          %and3A_310 = vector.broadcast %and3A_309 : i32 to vector<16xi32>
          %and3A_311 = arith.andi %add3A_305, %and3A_310 : vector<16xi32>
          tpu.vector_store_idx %arg8[%shift_right_arithmetic3A_308, %and3A_311], %gather3A : memref<128x128xf32, #tpu.memory_space<vmem>>[vector<16xi32>, vector<16xi32>], vector<16xf32>,
          %add3A_312 = vector.broadcast %add3A_280 : i32 to vector<16xi32>
          %add3A_313 = arith.addi %add3A_312, %add3A_103 : vector<16xi32>
          %shift_right_arithmetic3A_314 = arith.constant 7 : i32
          %shift_right_arithmetic3A_315 = vector.broadcast %shift_right_arithmetic3A_314 : i32 to vector<16xi32>
          %shift_right_arithmetic3A_316 = arith.shrsi %add3A_313, %shift_right_arithmetic3A_315 : vector<16xi32>
          %and3A_317 = arith.constant 127 : i32
          %and3A_318 = vector.broadcast %and3A_317 : i32 to vector<16xi32>
          %and3A_319 = arith.andi %add3A_313, %and3A_318 : vector<16xi32>
          tpu.vector_store_idx %arg8[%shift_right_arithmetic3A_316, %and3A_319], %gather3A_285 : memref<128x128xf32, #tpu.memory_space<vmem>>[vector<16xi32>, vector<16xi32>], vector<16xf32>,
          %add3A_320 = vector.broadcast %add3A_280 : i32 to vector<16xi32>
          %add3A_321 = arith.addi %add3A_320, %add3A_107 : vector<16xi32>
          %shift_right_arithmetic3A_322 = arith.constant 7 : i32
          %shift_right_arithmetic3A_323 = vector.broadcast %shift_right_arithmetic3A_322 : i32 to vector<16xi32>
          %shift_right_arithmetic3A_324 = arith.shrsi %add3A_321, %shift_right_arithmetic3A_323 : vector<16xi32>
          %and3A_325 = arith.constant 127 : i32
          %and3A_326 = vector.broadcast %and3A_325 : i32 to vector<16xi32>
          %and3A_327 = arith.andi %add3A_321, %and3A_326 : vector<16xi32>
          tpu.vector_store_idx %arg8[%shift_right_arithmetic3A_324, %and3A_327], %gather3A_288 : memref<128x128xf32, #tpu.memory_space<vmem>>[vector<16xi32>, vector<16xi32>], vector<16xf32>,
          %add3A_328 = vector.broadcast %add3A_280 : i32 to vector<16xi32>
          %add3A_329 = arith.addi %add3A_328, %add3A_111 : vector<16xi32>
          %shift_right_arithmetic3A_330 = arith.constant 7 : i32
          %shift_right_arithmetic3A_331 = vector.broadcast %shift_right_arithmetic3A_330 : i32 to vector<16xi32>
          %shift_right_arithmetic3A_332 = arith.shrsi %add3A_329, %shift_right_arithmetic3A_331 : vector<16xi32>
          %and3A_333 = arith.constant 127 : i32
          %and3A_334 = vector.broadcast %and3A_333 : i32 to vector<16xi32>
          %and3A_335 = arith.andi %add3A_329, %and3A_334 : vector<16xi32>
          tpu.vector_store_idx %arg8[%shift_right_arithmetic3A_332, %and3A_335], %gather3A_291 : memref<128x128xf32, #tpu.memory_space<vmem>>[vector<16xi32>, vector<16xi32>], vector<16xf32>,
          %add3A_336 = vector.broadcast %add3A_280 : i32 to vector<16xi32>
          %add3A_337 = arith.addi %add3A_336, %add3A_115 : vector<16xi32>
          %shift_right_arithmetic3A_338 = arith.constant 7 : i32
          %shift_right_arithmetic3A_339 = vector.broadcast %shift_right_arithmetic3A_338 : i32 to vector<16xi32>
          %shift_right_arithmetic3A_340 = arith.shrsi %add3A_337, %shift_right_arithmetic3A_339 : vector<16xi32>
          %and3A_341 = arith.constant 127 : i32
          %and3A_342 = vector.broadcast %and3A_341 : i32 to vector<16xi32>
          %and3A_343 = arith.andi %add3A_337, %and3A_342 : vector<16xi32>
          tpu.vector_store_idx %arg8[%shift_right_arithmetic3A_340, %and3A_343], %gather3A_294 : memref<128x128xf32, #tpu.memory_space<vmem>>[vector<16xi32>, vector<16xi32>], vector<16xf32>,
          %add3A_344 = vector.broadcast %add3A_280 : i32 to vector<16xi32>
          %add3A_345 = arith.addi %add3A_344, %add3A_119 : vector<16xi32>
          %shift_right_arithmetic3A_346 = arith.constant 7 : i32
          %shift_right_arithmetic3A_347 = vector.broadcast %shift_right_arithmetic3A_346 : i32 to vector<16xi32>
          %shift_right_arithmetic3A_348 = arith.shrsi %add3A_345, %shift_right_arithmetic3A_347 : vector<16xi32>
          %and3A_349 = arith.constant 127 : i32
          %and3A_350 = vector.broadcast %and3A_349 : i32 to vector<16xi32>
          %and3A_351 = arith.andi %add3A_345, %and3A_350 : vector<16xi32>
          tpu.vector_store_idx %arg8[%shift_right_arithmetic3A_348, %and3A_351], %gather3A_297 : memref<128x128xf32, #tpu.memory_space<vmem>>[vector<16xi32>, vector<16xi32>], vector<16xf32>,
          %add3A_352 = vector.broadcast %add3A_280 : i32 to vector<16xi32>
          %add3A_353 = arith.addi %add3A_352, %add3A_123 : vector<16xi32>
          %shift_right_arithmetic3A_354 = arith.constant 7 : i32
          %shift_right_arithmetic3A_355 = vector.broadcast %shift_right_arithmetic3A_354 : i32 to vector<16xi32>
          %shift_right_arithmetic3A_356 = arith.shrsi %add3A_353, %shift_right_arithmetic3A_355 : vector<16xi32>
          %and3A_357 = arith.constant 127 : i32
          %and3A_358 = vector.broadcast %and3A_357 : i32 to vector<16xi32>
          %and3A_359 = arith.andi %add3A_353, %and3A_358 : vector<16xi32>
          tpu.vector_store_idx %arg8[%shift_right_arithmetic3A_356, %and3A_359], %gather3A_300 : memref<128x128xf32, #tpu.memory_space<vmem>>[vector<16xi32>, vector<16xi32>], vector<16xf32>,
          %add3A_360 = vector.broadcast %add3A_280 : i32 to vector<16xi32>
          %add3A_361 = arith.addi %add3A_360, %add3A_127 : vector<16xi32>
          %shift_right_arithmetic3A_362 = arith.constant 7 : i32
          %shift_right_arithmetic3A_363 = vector.broadcast %shift_right_arithmetic3A_362 : i32 to vector<16xi32>
          %shift_right_arithmetic3A_364 = arith.shrsi %add3A_361, %shift_right_arithmetic3A_363 : vector<16xi32>
          %and3A_365 = arith.constant 127 : i32
          %and3A_366 = vector.broadcast %and3A_365 : i32 to vector<16xi32>
          %and3A_367 = arith.andi %add3A_361, %and3A_366 : vector<16xi32>
          tpu.vector_store_idx %arg8[%shift_right_arithmetic3A_364, %and3A_367], %gather3A_303 : memref<128x128xf32, #tpu.memory_space<vmem>>[vector<16xi32>, vector<16xi32>], vector<16xf32>,
          %add3A_368 = vector.broadcast %mul3A_265 : i32 to vector<16xi32>
          %add3A_369 = arith.addi %add3A_368, %and3A_53 : vector<16xi32>
          %gather3A_370 = tpu.vector_load_idx %arg6[%add3A_272, %add3A_369] : memref<128x128xf32, #tpu.memory_space<vmem>>[vector<16xi32>, vector<16xi32>], vector<16xf32>,
          %add3A_371 = vector.broadcast %mul3A_265 : i32 to vector<16xi32>
          %add3A_372 = arith.addi %add3A_371, %and3A_59 : vector<16xi32>
          %gather3A_373 = tpu.vector_load_idx %arg6[%add3A_272, %add3A_372] : memref<128x128xf32, #tpu.memory_space<vmem>>[vector<16xi32>, vector<16xi32>], vector<16xf32>,
          %add3A_374 = vector.broadcast %mul3A_265 : i32 to vector<16xi32>
          %add3A_375 = arith.addi %add3A_374, %and3A_65 : vector<16xi32>
          %gather3A_376 = tpu.vector_load_idx %arg6[%add3A_272, %add3A_375] : memref<128x128xf32, #tpu.memory_space<vmem>>[vector<16xi32>, vector<16xi32>], vector<16xf32>,
          %add3A_377 = vector.broadcast %mul3A_265 : i32 to vector<16xi32>
          %add3A_378 = arith.addi %add3A_377, %and3A_71 : vector<16xi32>
          %gather3A_379 = tpu.vector_load_idx %arg6[%add3A_272, %add3A_378] : memref<128x128xf32, #tpu.memory_space<vmem>>[vector<16xi32>, vector<16xi32>], vector<16xf32>,
          %add3A_380 = vector.broadcast %mul3A_265 : i32 to vector<16xi32>
          %add3A_381 = arith.addi %add3A_380, %and3A_77 : vector<16xi32>
          %gather3A_382 = tpu.vector_load_idx %arg6[%add3A_272, %add3A_381] : memref<128x128xf32, #tpu.memory_space<vmem>>[vector<16xi32>, vector<16xi32>], vector<16xf32>,
          %add3A_383 = vector.broadcast %mul3A_265 : i32 to vector<16xi32>
          %add3A_384 = arith.addi %add3A_383, %and3A_83 : vector<16xi32>
          %gather3A_385 = tpu.vector_load_idx %arg6[%add3A_272, %add3A_384] : memref<128x128xf32, #tpu.memory_space<vmem>>[vector<16xi32>, vector<16xi32>], vector<16xf32>,
          %add3A_386 = vector.broadcast %mul3A_265 : i32 to vector<16xi32>
          %add3A_387 = arith.addi %add3A_386, %and3A_89 : vector<16xi32>
          %gather3A_388 = tpu.vector_load_idx %arg6[%add3A_272, %add3A_387] : memref<128x128xf32, #tpu.memory_space<vmem>>[vector<16xi32>, vector<16xi32>], vector<16xf32>,
          %add3A_389 = vector.broadcast %mul3A_265 : i32 to vector<16xi32>
          %add3A_390 = arith.addi %add3A_389, %and3A_95 : vector<16xi32>
          %gather3A_391 = tpu.vector_load_idx %arg6[%add3A_272, %add3A_390] : memref<128x128xf32, #tpu.memory_space<vmem>>[vector<16xi32>, vector<16xi32>], vector<16xf32>,
          %add3A_392 = vector.broadcast %add3A_280 : i32 to vector<16xi32>
          %add3A_393 = arith.addi %add3A_392, %add3A_131 : vector<16xi32>
          %shift_right_arithmetic3A_394 = arith.constant 7 : i32
          %shift_right_arithmetic3A_395 = vector.broadcast %shift_right_arithmetic3A_394 : i32 to vector<16xi32>
          %shift_right_arithmetic3A_396 = arith.shrsi %add3A_393, %shift_right_arithmetic3A_395 : vector<16xi32>
          %and3A_397 = arith.constant 127 : i32
          %and3A_398 = vector.broadcast %and3A_397 : i32 to vector<16xi32>
          %and3A_399 = arith.andi %add3A_393, %and3A_398 : vector<16xi32>
          tpu.vector_store_idx %arg8[%shift_right_arithmetic3A_396, %and3A_399], %gather3A_370 : memref<128x128xf32, #tpu.memory_space<vmem>>[vector<16xi32>, vector<16xi32>], vector<16xf32>,
          %add3A_400 = vector.broadcast %add3A_280 : i32 to vector<16xi32>
          %add3A_401 = arith.addi %add3A_400, %add3A_135 : vector<16xi32>
          %shift_right_arithmetic3A_402 = arith.constant 7 : i32
          %shift_right_arithmetic3A_403 = vector.broadcast %shift_right_arithmetic3A_402 : i32 to vector<16xi32>
          %shift_right_arithmetic3A_404 = arith.shrsi %add3A_401, %shift_right_arithmetic3A_403 : vector<16xi32>
          %and3A_405 = arith.constant 127 : i32
          %and3A_406 = vector.broadcast %and3A_405 : i32 to vector<16xi32>
          %and3A_407 = arith.andi %add3A_401, %and3A_406 : vector<16xi32>
          tpu.vector_store_idx %arg8[%shift_right_arithmetic3A_404, %and3A_407], %gather3A_373 : memref<128x128xf32, #tpu.memory_space<vmem>>[vector<16xi32>, vector<16xi32>], vector<16xf32>,
          %add3A_408 = vector.broadcast %add3A_280 : i32 to vector<16xi32>
          %add3A_409 = arith.addi %add3A_408, %add3A_139 : vector<16xi32>
          %shift_right_arithmetic3A_410 = arith.constant 7 : i32
          %shift_right_arithmetic3A_411 = vector.broadcast %shift_right_arithmetic3A_410 : i32 to vector<16xi32>
          %shift_right_arithmetic3A_412 = arith.shrsi %add3A_409, %shift_right_arithmetic3A_411 : vector<16xi32>
          %and3A_413 = arith.constant 127 : i32
          %and3A_414 = vector.broadcast %and3A_413 : i32 to vector<16xi32>
          %and3A_415 = arith.andi %add3A_409, %and3A_414 : vector<16xi32>
          tpu.vector_store_idx %arg8[%shift_right_arithmetic3A_412, %and3A_415], %gather3A_376 : memref<128x128xf32, #tpu.memory_space<vmem>>[vector<16xi32>, vector<16xi32>], vector<16xf32>,
          %add3A_416 = vector.broadcast %add3A_280 : i32 to vector<16xi32>
          %add3A_417 = arith.addi %add3A_416, %add3A_143 : vector<16xi32>
          %shift_right_arithmetic3A_418 = arith.constant 7 : i32
          %shift_right_arithmetic3A_419 = vector.broadcast %shift_right_arithmetic3A_418 : i32 to vector<16xi32>
          %shift_right_arithmetic3A_420 = arith.shrsi %add3A_417, %shift_right_arithmetic3A_419 : vector<16xi32>
          %and3A_421 = arith.constant 127 : i32
          %and3A_422 = vector.broadcast %and3A_421 : i32 to vector<16xi32>
          %and3A_423 = arith.andi %add3A_417, %and3A_422 : vector<16xi32>
          tpu.vector_store_idx %arg8[%shift_right_arithmetic3A_420, %and3A_423], %gather3A_379 : memref<128x128xf32, #tpu.memory_space<vmem>>[vector<16xi32>, vector<16xi32>], vector<16xf32>,
          %add3A_424 = vector.broadcast %add3A_280 : i32 to vector<16xi32>
          %add3A_425 = arith.addi %add3A_424, %add3A_147 : vector<16xi32>
          %shift_right_arithmetic3A_426 = arith.constant 7 : i32
          %shift_right_arithmetic3A_427 = vector.broadcast %shift_right_arithmetic3A_426 : i32 to vector<16xi32>
          %shift_right_arithmetic3A_428 = arith.shrsi %add3A_425, %shift_right_arithmetic3A_427 : vector<16xi32>
          %and3A_429 = arith.constant 127 : i32
          %and3A_430 = vector.broadcast %and3A_429 : i32 to vector<16xi32>
          %and3A_431 = arith.andi %add3A_425, %and3A_430 : vector<16xi32>
          tpu.vector_store_idx %arg8[%shift_right_arithmetic3A_428, %and3A_431], %gather3A_382 : memref<128x128xf32, #tpu.memory_space<vmem>>[vector<16xi32>, vector<16xi32>], vector<16xf32>,
          %add3A_432 = vector.broadcast %add3A_280 : i32 to vector<16xi32>
          %add3A_433 = arith.addi %add3A_432, %add3A_151 : vector<16xi32>
          %shift_right_arithmetic3A_434 = arith.constant 7 : i32
          %shift_right_arithmetic3A_435 = vector.broadcast %shift_right_arithmetic3A_434 : i32 to vector<16xi32>
          %shift_right_arithmetic3A_436 = arith.shrsi %add3A_433, %shift_right_arithmetic3A_435 : vector<16xi32>
          %and3A_437 = arith.constant 127 : i32
          %and3A_438 = vector.broadcast %and3A_437 : i32 to vector<16xi32>
          %and3A_439 = arith.andi %add3A_433, %and3A_438 : vector<16xi32>
          tpu.vector_store_idx %arg8[%shift_right_arithmetic3A_436, %and3A_439], %gather3A_385 : memref<128x128xf32, #tpu.memory_space<vmem>>[vector<16xi32>, vector<16xi32>], vector<16xf32>,
          %add3A_440 = vector.broadcast %add3A_280 : i32 to vector<16xi32>
          %add3A_441 = arith.addi %add3A_440, %add3A_155 : vector<16xi32>
          %shift_right_arithmetic3A_442 = arith.constant 7 : i32
          %shift_right_arithmetic3A_443 = vector.broadcast %shift_right_arithmetic3A_442 : i32 to vector<16xi32>
          %shift_right_arithmetic3A_444 = arith.shrsi %add3A_441, %shift_right_arithmetic3A_443 : vector<16xi32>
          %and3A_445 = arith.constant 127 : i32
          %and3A_446 = vector.broadcast %and3A_445 : i32 to vector<16xi32>
          %and3A_447 = arith.andi %add3A_441, %and3A_446 : vector<16xi32>
          tpu.vector_store_idx %arg8[%shift_right_arithmetic3A_444, %and3A_447], %gather3A_388 : memref<128x128xf32, #tpu.memory_space<vmem>>[vector<16xi32>, vector<16xi32>], vector<16xf32>,
          %add3A_448 = vector.broadcast %add3A_280 : i32 to vector<16xi32>
          %add3A_449 = arith.addi %add3A_448, %add3A_159 : vector<16xi32>
          %shift_right_arithmetic3A_450 = arith.constant 7 : i32
          %shift_right_arithmetic3A_451 = vector.broadcast %shift_right_arithmetic3A_450 : i32 to vector<16xi32>
          %shift_right_arithmetic3A_452 = arith.shrsi %add3A_449, %shift_right_arithmetic3A_451 : vector<16xi32>
          %and3A_453 = arith.constant 127 : i32
          %and3A_454 = vector.broadcast %and3A_453 : i32 to vector<16xi32>
          %and3A_455 = arith.andi %add3A_449, %and3A_454 : vector<16xi32>
          tpu.vector_store_idx %arg8[%shift_right_arithmetic3A_452, %and3A_455], %gather3A_391 : memref<128x128xf32, #tpu.memory_space<vmem>>[vector<16xi32>, vector<16xi32>], vector<16xf32>,
        }
        %scan3A_250 = arith.constant 64 : i32
        %mul3A_251 = arith.constant 128 : i32
        %mul3A_252 = arith.muli %add3A_174, %mul3A_251 : i32
        %dma_start3A = arith.constant 0 : i32
        %dma_start3A_253 = tpu.memref_slice %arg4[%mul3A_252, %dma_start3A] : memref<250000x128xf32, #tpu.memory_space<hbm>> -> memref<128x128xf32, #tpu.memory_space<hbm>>
        %dma_start3A_254 = arith.constant 0 : i32
        %dma_start3A_255 = tpu.memref_slice %arg4[%mul3A_252, %dma_start3A_254] : memref<250000x128xf32, #tpu.memory_space<hbm>> -> memref<128x128xf32, #tpu.memory_space<hbm>>
        tpu.enqueue_dma source(%arg8 : memref<128x128xf32, #tpu.memory_space<vmem>>) target(%dma_start3A_255 : memref<128x128xf32, #tpu.memory_space<hbm>>) target_semaphore(%arg12 : memref<!tpu.dma_semaphore, #tpu.memory_space<semaphore_mem>>)
      } else {
      }
      %convert_element_type3A_190 = arith.extui %lt3A_175 : i1 to i32
      %cond3A_191 = arith.constant 0 : i32
      %cond3A_192 = arith.cmpi ne, %convert_element_type3A_190, %cond3A_191 : i32
      scf.if %cond3A_192 {
        %mul3A_196 = arith.constant 128 : i32
        %mul3A_197 = arith.muli %add3A_172, %mul3A_196 : i32
        %dma_wait3A = arith.constant 0 : i32
        %dma_wait3A_198 = tpu.memref_slice %arg4[%mul3A_197, %dma_wait3A] : memref<250000x128xf32, #tpu.memory_space<hbm>> -> memref<128x128xf32, #tpu.memory_space<hbm>>
        %dma_wait3A_199 = arith.constant 0 : i32
        %dma_wait3A_200 = tpu.memref_slice %arg4[%mul3A_197, %dma_wait3A_199] : memref<250000x128xf32, #tpu.memory_space<hbm>> -> memref<128x128xf32, #tpu.memory_space<hbm>>
        tpu.wait_dma2 semaphore(%arg11 : memref<!tpu.dma_semaphore, #tpu.memory_space<semaphore_mem>>) src(%arg7 : memref<128x128xf32, #tpu.memory_space<vmem>>) dst(%dma_wait3A_200 : memref<128x128xf32, #tpu.memory_space<hbm>>)
      } else {
      }
      %convert_element_type3A_193 = arith.extui %lt3A_177 : i1 to i32
      %cond3A_194 = arith.constant 0 : i32
      %cond3A_195 = arith.cmpi ne, %convert_element_type3A_193, %cond3A_194 : i32
      scf.if %cond3A_195 {
        %mul3A_196 = arith.constant 128 : i32
        %mul3A_197 = arith.muli %add3A_174, %mul3A_196 : i32
        %dma_wait3A = arith.constant 0 : i32
        %dma_wait3A_198 = tpu.memref_slice %arg4[%mul3A_197, %dma_wait3A] : memref<250000x128xf32, #tpu.memory_space<hbm>> -> memref<128x128xf32, #tpu.memory_space<hbm>>
        %dma_wait3A_199 = arith.constant 0 : i32
        %dma_wait3A_200 = tpu.memref_slice %arg4[%mul3A_197, %dma_wait3A_199] : memref<250000x128xf32, #tpu.memory_space<hbm>> -> memref<128x128xf32, #tpu.memory_space<hbm>>
        tpu.wait_dma2 semaphore(%arg12 : memref<!tpu.dma_semaphore, #tpu.memory_space<semaphore_mem>>) src(%arg8 : memref<128x128xf32, #tpu.memory_space<vmem>>) dst(%dma_wait3A_200 : memref<128x128xf32, #tpu.memory_space<hbm>>)
      } else {
      }
    }
    %scan3A_164 = arith.constant 31 : i32
    %eq3A = arith.constant 31 : i32
    %eq3A_165 = arith.cmpi eq, %add3A, %eq3A : i32
    %convert_element_type3A = arith.extui %eq3A_165 : i1 to i32
    %cond3A = arith.constant 0 : i32
    %cond3A_166 = arith.cmpi ne, %convert_element_type3A, %cond3A : i32
    scf.if %cond3A_166 {
      "tpu.region"() ({
        %run_scoped3A = tpu.sem_alloc : memref<!tpu.dma_semaphore, #tpu.memory_space<semaphore_mem>>
        %dma_start3A = arith.constant 0 : i32
        %dma_start3A_167 = arith.constant 0 : i32
        %dma_start3A_168 = tpu.memref_slice %arg7[%dma_start3A, %dma_start3A_167] : memref<128x128xf32, #tpu.memory_space<vmem>> -> memref<16x128xf32, #tpu.memory_space<vmem>>
        %dma_start3A_169 = arith.constant 0 : i32
        %dma_start3A_170 = arith.constant 0 : i32
        %dma_start3A_171 = tpu.memref_slice %arg7[%dma_start3A_169, %dma_start3A_170] : memref<128x128xf32, #tpu.memory_space<vmem>> -> memref<16x128xf32, #tpu.memory_space<vmem>>
        tpu.enqueue_dma source(%arg3 : memref<16x128xf32, #tpu.memory_space<hbm>>) target(%dma_start3A_171 : memref<16x128xf32, #tpu.memory_space<vmem>>) target_semaphore(%run_scoped3A : memref<!tpu.dma_semaphore, #tpu.memory_space<semaphore_mem>>)
        %dma_wait3A = arith.constant 0 : i32
        %dma_wait3A_172 = arith.constant 0 : i32
        %dma_wait3A_173 = tpu.memref_slice %arg7[%dma_wait3A, %dma_wait3A_172] : memref<128x128xf32, #tpu.memory_space<vmem>> -> memref<16x128xf32, #tpu.memory_space<vmem>>
        %dma_wait3A_174 = arith.constant 0 : i32
        %dma_wait3A_175 = arith.constant 0 : i32
        %dma_wait3A_176 = tpu.memref_slice %arg7[%dma_wait3A_174, %dma_wait3A_175] : memref<128x128xf32, #tpu.memory_space<vmem>> -> memref<16x128xf32, #tpu.memory_space<vmem>>
        tpu.wait_dma2 semaphore(%run_scoped3A : memref<!tpu.dma_semaphore, #tpu.memory_space<semaphore_mem>>) src(%arg3 : memref<16x128xf32, #tpu.memory_space<hbm>>) dst(%dma_wait3A_176 : memref<16x128xf32, #tpu.memory_space<vmem>>)
        tpu.yield
      }) : () -> ()
      "tpu.region"() ({
        %run_scoped3A = tpu.sem_alloc : memref<!tpu.dma_semaphore, #tpu.memory_space<semaphore_mem>>
        %dma_start3A = arith.constant 0 : i32
        %dma_start3A_167 = arith.constant 0 : i32
        %dma_start3A_168 = tpu.memref_slice %arg7[%dma_start3A, %dma_start3A_167] : memref<128x128xf32, #tpu.memory_space<vmem>> -> memref<16x128xf32, #tpu.memory_space<vmem>>
        %dma_start3A_169 = arith.constant 249984 : i32
        %dma_start3A_170 = arith.constant 0 : i32
        %dma_start3A_171 = tpu.memref_slice %arg4[%dma_start3A_169, %dma_start3A_170] : memref<250000x128xf32, #tpu.memory_space<hbm>> -> memref<16x128xf32, #tpu.memory_space<hbm>>
        %dma_start3A_172 = arith.constant 249984 : i32
        %dma_start3A_173 = arith.constant 0 : i32
        %dma_start3A_174 = tpu.memref_slice %arg4[%dma_start3A_172, %dma_start3A_173] : memref<250000x128xf32, #tpu.memory_space<hbm>> -> memref<16x128xf32, #tpu.memory_space<hbm>>
        %dma_start3A_175 = arith.constant 0 : i32
        %dma_start3A_176 = arith.constant 0 : i32
        %dma_start3A_177 = tpu.memref_slice %arg7[%dma_start3A_175, %dma_start3A_176] : memref<128x128xf32, #tpu.memory_space<vmem>> -> memref<16x128xf32, #tpu.memory_space<vmem>>
        tpu.enqueue_dma source(%dma_start3A_177 : memref<16x128xf32, #tpu.memory_space<vmem>>) target(%dma_start3A_174 : memref<16x128xf32, #tpu.memory_space<hbm>>) target_semaphore(%run_scoped3A : memref<!tpu.dma_semaphore, #tpu.memory_space<semaphore_mem>>)
        %dma_wait3A = arith.constant 0 : i32
        %dma_wait3A_178 = arith.constant 0 : i32
        %dma_wait3A_179 = tpu.memref_slice %arg7[%dma_wait3A, %dma_wait3A_178] : memref<128x128xf32, #tpu.memory_space<vmem>> -> memref<16x128xf32, #tpu.memory_space<vmem>>
        %dma_wait3A_180 = arith.constant 249984 : i32
        %dma_wait3A_181 = arith.constant 0 : i32
        %dma_wait3A_182 = tpu.memref_slice %arg4[%dma_wait3A_180, %dma_wait3A_181] : memref<250000x128xf32, #tpu.memory_space<hbm>> -> memref<16x128xf32, #tpu.memory_space<hbm>>
        %dma_wait3A_183 = arith.constant 249984 : i32
        %dma_wait3A_184 = arith.constant 0 : i32
        %dma_wait3A_185 = tpu.memref_slice %arg4[%dma_wait3A_183, %dma_wait3A_184] : memref<250000x128xf32, #tpu.memory_space<hbm>> -> memref<16x128xf32, #tpu.memory_space<hbm>>
        %dma_wait3A_186 = arith.constant 0 : i32
        %dma_wait3A_187 = arith.constant 0 : i32
        %dma_wait3A_188 = tpu.memref_slice %arg7[%dma_wait3A_186, %dma_wait3A_187] : memref<128x128xf32, #tpu.memory_space<vmem>> -> memref<16x128xf32, #tpu.memory_space<vmem>>
        tpu.wait_dma2 semaphore(%run_scoped3A : memref<!tpu.dma_semaphore, #tpu.memory_space<semaphore_mem>>) src(%dma_wait3A_188 : memref<16x128xf32, #tpu.memory_space<vmem>>) dst(%dma_wait3A_185 : memref<16x128xf32, #tpu.memory_space<hbm>>)
        tpu.yield
      }) : () -> ()
    } else {
    }
    return
  }
}

#map = affine_map<(d0, d1) -> (0)>
#map1 = affine_map<(d0, d1) -> (0, 0)>
module attributes {stable_mosaic.version = 14 : i64} {
  func.func @gather_kernel(%arg0: i32, %arg1: i32, %arg2: memref<425984xi32, #tpu.memory_space<hbm>>, %arg3: memref<1000000x32xf32, #tpu.memory_space<hbm>>, %arg4: memref<425984x32xf32, #tpu.memory_space<hbm>>, %arg5: memref<3328xi32, #tpu.memory_space<vmem>>, %arg6: memref<3328x32xf32, #tpu.memory_space<vmem>>, %arg7: memref<!tpu.dma_semaphore, #tpu.memory_space<semaphore_mem>>) attributes {dimension_semantics = [#tpu.dimension_semantics<core_parallel>, #tpu.dimension_semantics<subcore_parallel>], iteration_bounds = array<i64: 2, 16>, scalar_prefetch = 0 : i64, scratch_operands = 3 : i64, tpu.core_type = #tpu.core_type<sc_vector_subcore>, window_params = [{transform_indices = #map}, {transform_indices = #map1}, {transform_indices = #map1}]} {
    %mul3A = arith.constant 2 : i32
    %mul3A_0 = arith.muli %arg1, %mul3A : i32
    %add3A = arith.addi %mul3A_0, %arg0 : i32
    %mul3A_1 = arith.constant 13312 : i32
    %mul3A_2 = arith.muli %add3A, %mul3A_1 : i32
    %add3A_3 = arith.constant 0 : i32
    %add3A_4 = arith.addi %mul3A_2, %add3A_3 : i32
    "tpu.region"() ({
      %run_scoped3A = tpu.sem_alloc : memref<!tpu.dma_semaphore, #tpu.memory_space<semaphore_mem>>
      %dma_start3A_39 = tpu.memref_slice %arg2[%add3A_4] : memref<425984xi32, #tpu.memory_space<hbm>> -> memref<3328xi32, #tpu.memory_space<hbm>>
      %dma_start3A_40 = tpu.memref_slice %arg2[%add3A_4] : memref<425984xi32, #tpu.memory_space<hbm>> -> memref<3328xi32, #tpu.memory_space<hbm>>
      tpu.enqueue_dma source(%dma_start3A_40 : memref<3328xi32, #tpu.memory_space<hbm>>) target(%arg5 : memref<3328xi32, #tpu.memory_space<vmem>>) target_semaphore(%run_scoped3A : memref<!tpu.dma_semaphore, #tpu.memory_space<semaphore_mem>>)
      %dma_wait3A_41 = tpu.memref_slice %arg2[%add3A_4] : memref<425984xi32, #tpu.memory_space<hbm>> -> memref<3328xi32, #tpu.memory_space<hbm>>
      %dma_wait3A_42 = tpu.memref_slice %arg2[%add3A_4] : memref<425984xi32, #tpu.memory_space<hbm>> -> memref<3328xi32, #tpu.memory_space<hbm>>
      tpu.wait_dma2 semaphore(%run_scoped3A : memref<!tpu.dma_semaphore, #tpu.memory_space<semaphore_mem>>) src(%dma_wait3A_42 : memref<3328xi32, #tpu.memory_space<hbm>>) dst(%arg5 : memref<3328xi32, #tpu.memory_space<vmem>>)
      tpu.yield
    }) : () -> ()
    %dma_start3A = arith.constant 0 : i32
    %dma_start3A_5 = arith.constant 0 : i32
    %dma_start3A_6 = tpu.memref_slice %arg3[%dma_start3A, %dma_start3A_5] : memref<1000000x32xf32, #tpu.memory_space<hbm>> -> memref<1000000x32xf32, #tpu.memory_space<hbm>>
    tpu.enqueue_indirect_dma source(%dma_start3A_6 : memref<1000000x32xf32, #tpu.memory_space<hbm>>) target(%arg6 : memref<3328x32xf32, #tpu.memory_space<vmem>>) offsets(%arg5 : memref<3328xi32, #tpu.memory_space<vmem>>) semaphore(%arg7 : memref<!tpu.dma_semaphore, #tpu.memory_space<semaphore_mem>>)
    %dma_wait3A = arith.constant 0 : i32
    %dma_wait3A_7 = arith.constant 0 : i32
    %dma_wait3A_8 = tpu.memref_slice %arg3[%dma_wait3A, %dma_wait3A_7] : memref<1000000x32xf32, #tpu.memory_space<hbm>> -> memref<1000000x32xf32, #tpu.memory_space<hbm>>
    tpu.wait_indirect_dma semaphore(%arg7 : memref<!tpu.dma_semaphore, #tpu.memory_space<semaphore_mem>>) src(%dma_wait3A_8 : memref<1000000x32xf32, #tpu.memory_space<hbm>>) dst(%arg6 : memref<3328x32xf32, #tpu.memory_space<vmem>>)
    "tpu.region"() ({
      %run_scoped3A = tpu.sem_alloc : memref<!tpu.dma_semaphore, #tpu.memory_space<semaphore_mem>>
      %dma_start3A_39 = arith.constant 0 : i32
      %dma_start3A_40 = tpu.memref_slice %arg4[%add3A_4, %dma_start3A_39] : memref<425984x32xf32, #tpu.memory_space<hbm>> -> memref<3328x32xf32, #tpu.memory_space<hbm>>
      %dma_start3A_41 = arith.constant 0 : i32
      %dma_start3A_42 = tpu.memref_slice %arg4[%add3A_4, %dma_start3A_41] : memref<425984x32xf32, #tpu.memory_space<hbm>> -> memref<3328x32xf32, #tpu.memory_space<hbm>>
      tpu.enqueue_dma source(%arg6 : memref<3328x32xf32, #tpu.memory_space<vmem>>) target(%dma_start3A_42 : memref<3328x32xf32, #tpu.memory_space<hbm>>) target_semaphore(%run_scoped3A : memref<!tpu.dma_semaphore, #tpu.memory_space<semaphore_mem>>)
      %dma_wait3A_43 = arith.constant 0 : i32
      %dma_wait3A_44 = tpu.memref_slice %arg4[%add3A_4, %dma_wait3A_43] : memref<425984x32xf32, #tpu.memory_space<hbm>> -> memref<3328x32xf32, #tpu.memory_space<hbm>>
      %dma_wait3A_45 = arith.constant 0 : i32
      %dma_wait3A_46 = tpu.memref_slice %arg4[%add3A_4, %dma_wait3A_45] : memref<425984x32xf32, #tpu.memory_space<hbm>> -> memref<3328x32xf32, #tpu.memory_space<hbm>>
      tpu.wait_dma2 semaphore(%run_scoped3A : memref<!tpu.dma_semaphore, #tpu.memory_space<semaphore_mem>>) src(%arg6 : memref<3328x32xf32, #tpu.memory_space<vmem>>) dst(%dma_wait3A_46 : memref<3328x32xf32, #tpu.memory_space<hbm>>)
      tpu.yield
    }) : () -> ()
    %mul3A_9 = arith.constant 13312 : i32
    %mul3A_10 = arith.muli %add3A, %mul3A_9 : i32
    %add3A_11 = arith.constant 3328 : i32
    %add3A_12 = arith.addi %mul3A_10, %add3A_11 : i32
    "tpu.region"() ({
      %run_scoped3A = tpu.sem_alloc : memref<!tpu.dma_semaphore, #tpu.memory_space<semaphore_mem>>
      %dma_start3A_39 = tpu.memref_slice %arg2[%add3A_12] : memref<425984xi32, #tpu.memory_space<hbm>> -> memref<3328xi32, #tpu.memory_space<hbm>>
      %dma_start3A_40 = tpu.memref_slice %arg2[%add3A_12] : memref<425984xi32, #tpu.memory_space<hbm>> -> memref<3328xi32, #tpu.memory_space<hbm>>
      tpu.enqueue_dma source(%dma_start3A_40 : memref<3328xi32, #tpu.memory_space<hbm>>) target(%arg5 : memref<3328xi32, #tpu.memory_space<vmem>>) target_semaphore(%run_scoped3A : memref<!tpu.dma_semaphore, #tpu.memory_space<semaphore_mem>>)
      %dma_wait3A_41 = tpu.memref_slice %arg2[%add3A_12] : memref<425984xi32, #tpu.memory_space<hbm>> -> memref<3328xi32, #tpu.memory_space<hbm>>
      %dma_wait3A_42 = tpu.memref_slice %arg2[%add3A_12] : memref<425984xi32, #tpu.memory_space<hbm>> -> memref<3328xi32, #tpu.memory_space<hbm>>
      tpu.wait_dma2 semaphore(%run_scoped3A : memref<!tpu.dma_semaphore, #tpu.memory_space<semaphore_mem>>) src(%dma_wait3A_42 : memref<3328xi32, #tpu.memory_space<hbm>>) dst(%arg5 : memref<3328xi32, #tpu.memory_space<vmem>>)
      tpu.yield
    }) : () -> ()
    %dma_start3A_13 = arith.constant 0 : i32
    %dma_start3A_14 = arith.constant 0 : i32
    %dma_start3A_15 = tpu.memref_slice %arg3[%dma_start3A_13, %dma_start3A_14] : memref<1000000x32xf32, #tpu.memory_space<hbm>> -> memref<1000000x32xf32, #tpu.memory_space<hbm>>
    tpu.enqueue_indirect_dma source(%dma_start3A_15 : memref<1000000x32xf32, #tpu.memory_space<hbm>>) target(%arg6 : memref<3328x32xf32, #tpu.memory_space<vmem>>) offsets(%arg5 : memref<3328xi32, #tpu.memory_space<vmem>>) semaphore(%arg7 : memref<!tpu.dma_semaphore, #tpu.memory_space<semaphore_mem>>)
    %dma_wait3A_16 = arith.constant 0 : i32
    %dma_wait3A_17 = arith.constant 0 : i32
    %dma_wait3A_18 = tpu.memref_slice %arg3[%dma_wait3A_16, %dma_wait3A_17] : memref<1000000x32xf32, #tpu.memory_space<hbm>> -> memref<1000000x32xf32, #tpu.memory_space<hbm>>
    tpu.wait_indirect_dma semaphore(%arg7 : memref<!tpu.dma_semaphore, #tpu.memory_space<semaphore_mem>>) src(%dma_wait3A_18 : memref<1000000x32xf32, #tpu.memory_space<hbm>>) dst(%arg6 : memref<3328x32xf32, #tpu.memory_space<vmem>>)
    "tpu.region"() ({
      %run_scoped3A = tpu.sem_alloc : memref<!tpu.dma_semaphore, #tpu.memory_space<semaphore_mem>>
      %dma_start3A_39 = arith.constant 0 : i32
      %dma_start3A_40 = tpu.memref_slice %arg4[%add3A_12, %dma_start3A_39] : memref<425984x32xf32, #tpu.memory_space<hbm>> -> memref<3328x32xf32, #tpu.memory_space<hbm>>
      %dma_start3A_41 = arith.constant 0 : i32
      %dma_start3A_42 = tpu.memref_slice %arg4[%add3A_12, %dma_start3A_41] : memref<425984x32xf32, #tpu.memory_space<hbm>> -> memref<3328x32xf32, #tpu.memory_space<hbm>>
      tpu.enqueue_dma source(%arg6 : memref<3328x32xf32, #tpu.memory_space<vmem>>) target(%dma_start3A_42 : memref<3328x32xf32, #tpu.memory_space<hbm>>) target_semaphore(%run_scoped3A : memref<!tpu.dma_semaphore, #tpu.memory_space<semaphore_mem>>)
      %dma_wait3A_43 = arith.constant 0 : i32
      %dma_wait3A_44 = tpu.memref_slice %arg4[%add3A_12, %dma_wait3A_43] : memref<425984x32xf32, #tpu.memory_space<hbm>> -> memref<3328x32xf32, #tpu.memory_space<hbm>>
      %dma_wait3A_45 = arith.constant 0 : i32
      %dma_wait3A_46 = tpu.memref_slice %arg4[%add3A_12, %dma_wait3A_45] : memref<425984x32xf32, #tpu.memory_space<hbm>> -> memref<3328x32xf32, #tpu.memory_space<hbm>>
      tpu.wait_dma2 semaphore(%run_scoped3A : memref<!tpu.dma_semaphore, #tpu.memory_space<semaphore_mem>>) src(%arg6 : memref<3328x32xf32, #tpu.memory_space<vmem>>) dst(%dma_wait3A_46 : memref<3328x32xf32, #tpu.memory_space<hbm>>)
      tpu.yield
    }) : () -> ()
    %mul3A_19 = arith.constant 13312 : i32
    %mul3A_20 = arith.muli %add3A, %mul3A_19 : i32
    %add3A_21 = arith.constant 6656 : i32
    %add3A_22 = arith.addi %mul3A_20, %add3A_21 : i32
    "tpu.region"() ({
      %run_scoped3A = tpu.sem_alloc : memref<!tpu.dma_semaphore, #tpu.memory_space<semaphore_mem>>
      %dma_start3A_39 = tpu.memref_slice %arg2[%add3A_22] : memref<425984xi32, #tpu.memory_space<hbm>> -> memref<3328xi32, #tpu.memory_space<hbm>>
      %dma_start3A_40 = tpu.memref_slice %arg2[%add3A_22] : memref<425984xi32, #tpu.memory_space<hbm>> -> memref<3328xi32, #tpu.memory_space<hbm>>
      tpu.enqueue_dma source(%dma_start3A_40 : memref<3328xi32, #tpu.memory_space<hbm>>) target(%arg5 : memref<3328xi32, #tpu.memory_space<vmem>>) target_semaphore(%run_scoped3A : memref<!tpu.dma_semaphore, #tpu.memory_space<semaphore_mem>>)
      %dma_wait3A_41 = tpu.memref_slice %arg2[%add3A_22] : memref<425984xi32, #tpu.memory_space<hbm>> -> memref<3328xi32, #tpu.memory_space<hbm>>
      %dma_wait3A_42 = tpu.memref_slice %arg2[%add3A_22] : memref<425984xi32, #tpu.memory_space<hbm>> -> memref<3328xi32, #tpu.memory_space<hbm>>
      tpu.wait_dma2 semaphore(%run_scoped3A : memref<!tpu.dma_semaphore, #tpu.memory_space<semaphore_mem>>) src(%dma_wait3A_42 : memref<3328xi32, #tpu.memory_space<hbm>>) dst(%arg5 : memref<3328xi32, #tpu.memory_space<vmem>>)
      tpu.yield
    }) : () -> ()
    %dma_start3A_23 = arith.constant 0 : i32
    %dma_start3A_24 = arith.constant 0 : i32
    %dma_start3A_25 = tpu.memref_slice %arg3[%dma_start3A_23, %dma_start3A_24] : memref<1000000x32xf32, #tpu.memory_space<hbm>> -> memref<1000000x32xf32, #tpu.memory_space<hbm>>
    tpu.enqueue_indirect_dma source(%dma_start3A_25 : memref<1000000x32xf32, #tpu.memory_space<hbm>>) target(%arg6 : memref<3328x32xf32, #tpu.memory_space<vmem>>) offsets(%arg5 : memref<3328xi32, #tpu.memory_space<vmem>>) semaphore(%arg7 : memref<!tpu.dma_semaphore, #tpu.memory_space<semaphore_mem>>)
    %dma_wait3A_26 = arith.constant 0 : i32
    %dma_wait3A_27 = arith.constant 0 : i32
    %dma_wait3A_28 = tpu.memref_slice %arg3[%dma_wait3A_26, %dma_wait3A_27] : memref<1000000x32xf32, #tpu.memory_space<hbm>> -> memref<1000000x32xf32, #tpu.memory_space<hbm>>
    tpu.wait_indirect_dma semaphore(%arg7 : memref<!tpu.dma_semaphore, #tpu.memory_space<semaphore_mem>>) src(%dma_wait3A_28 : memref<1000000x32xf32, #tpu.memory_space<hbm>>) dst(%arg6 : memref<3328x32xf32, #tpu.memory_space<vmem>>)
    "tpu.region"() ({
      %run_scoped3A = tpu.sem_alloc : memref<!tpu.dma_semaphore, #tpu.memory_space<semaphore_mem>>
      %dma_start3A_39 = arith.constant 0 : i32
      %dma_start3A_40 = tpu.memref_slice %arg4[%add3A_22, %dma_start3A_39] : memref<425984x32xf32, #tpu.memory_space<hbm>> -> memref<3328x32xf32, #tpu.memory_space<hbm>>
      %dma_start3A_41 = arith.constant 0 : i32
      %dma_start3A_42 = tpu.memref_slice %arg4[%add3A_22, %dma_start3A_41] : memref<425984x32xf32, #tpu.memory_space<hbm>> -> memref<3328x32xf32, #tpu.memory_space<hbm>>
      tpu.enqueue_dma source(%arg6 : memref<3328x32xf32, #tpu.memory_space<vmem>>) target(%dma_start3A_42 : memref<3328x32xf32, #tpu.memory_space<hbm>>) target_semaphore(%run_scoped3A : memref<!tpu.dma_semaphore, #tpu.memory_space<semaphore_mem>>)
      %dma_wait3A_43 = arith.constant 0 : i32
      %dma_wait3A_44 = tpu.memref_slice %arg4[%add3A_22, %dma_wait3A_43] : memref<425984x32xf32, #tpu.memory_space<hbm>> -> memref<3328x32xf32, #tpu.memory_space<hbm>>
      %dma_wait3A_45 = arith.constant 0 : i32
      %dma_wait3A_46 = tpu.memref_slice %arg4[%add3A_22, %dma_wait3A_45] : memref<425984x32xf32, #tpu.memory_space<hbm>> -> memref<3328x32xf32, #tpu.memory_space<hbm>>
      tpu.wait_dma2 semaphore(%run_scoped3A : memref<!tpu.dma_semaphore, #tpu.memory_space<semaphore_mem>>) src(%arg6 : memref<3328x32xf32, #tpu.memory_space<vmem>>) dst(%dma_wait3A_46 : memref<3328x32xf32, #tpu.memory_space<hbm>>)
      tpu.yield
    }) : () -> ()
    %mul3A_29 = arith.constant 13312 : i32
    %mul3A_30 = arith.muli %add3A, %mul3A_29 : i32
    %add3A_31 = arith.constant 9984 : i32
    %add3A_32 = arith.addi %mul3A_30, %add3A_31 : i32
    "tpu.region"() ({
      %run_scoped3A = tpu.sem_alloc : memref<!tpu.dma_semaphore, #tpu.memory_space<semaphore_mem>>
      %dma_start3A_39 = tpu.memref_slice %arg2[%add3A_32] : memref<425984xi32, #tpu.memory_space<hbm>> -> memref<3328xi32, #tpu.memory_space<hbm>>
      %dma_start3A_40 = tpu.memref_slice %arg2[%add3A_32] : memref<425984xi32, #tpu.memory_space<hbm>> -> memref<3328xi32, #tpu.memory_space<hbm>>
      tpu.enqueue_dma source(%dma_start3A_40 : memref<3328xi32, #tpu.memory_space<hbm>>) target(%arg5 : memref<3328xi32, #tpu.memory_space<vmem>>) target_semaphore(%run_scoped3A : memref<!tpu.dma_semaphore, #tpu.memory_space<semaphore_mem>>)
      %dma_wait3A_41 = tpu.memref_slice %arg2[%add3A_32] : memref<425984xi32, #tpu.memory_space<hbm>> -> memref<3328xi32, #tpu.memory_space<hbm>>
      %dma_wait3A_42 = tpu.memref_slice %arg2[%add3A_32] : memref<425984xi32, #tpu.memory_space<hbm>> -> memref<3328xi32, #tpu.memory_space<hbm>>
      tpu.wait_dma2 semaphore(%run_scoped3A : memref<!tpu.dma_semaphore, #tpu.memory_space<semaphore_mem>>) src(%dma_wait3A_42 : memref<3328xi32, #tpu.memory_space<hbm>>) dst(%arg5 : memref<3328xi32, #tpu.memory_space<vmem>>)
      tpu.yield
    }) : () -> ()
    %dma_start3A_33 = arith.constant 0 : i32
    %dma_start3A_34 = arith.constant 0 : i32
    %dma_start3A_35 = tpu.memref_slice %arg3[%dma_start3A_33, %dma_start3A_34] : memref<1000000x32xf32, #tpu.memory_space<hbm>> -> memref<1000000x32xf32, #tpu.memory_space<hbm>>
    tpu.enqueue_indirect_dma source(%dma_start3A_35 : memref<1000000x32xf32, #tpu.memory_space<hbm>>) target(%arg6 : memref<3328x32xf32, #tpu.memory_space<vmem>>) offsets(%arg5 : memref<3328xi32, #tpu.memory_space<vmem>>) semaphore(%arg7 : memref<!tpu.dma_semaphore, #tpu.memory_space<semaphore_mem>>)
    %dma_wait3A_36 = arith.constant 0 : i32
    %dma_wait3A_37 = arith.constant 0 : i32
    %dma_wait3A_38 = tpu.memref_slice %arg3[%dma_wait3A_36, %dma_wait3A_37] : memref<1000000x32xf32, #tpu.memory_space<hbm>> -> memref<1000000x32xf32, #tpu.memory_space<hbm>>
    tpu.wait_indirect_dma semaphore(%arg7 : memref<!tpu.dma_semaphore, #tpu.memory_space<semaphore_mem>>) src(%dma_wait3A_38 : memref<1000000x32xf32, #tpu.memory_space<hbm>>) dst(%arg6 : memref<3328x32xf32, #tpu.memory_space<vmem>>)
    "tpu.region"() ({
      %run_scoped3A = tpu.sem_alloc : memref<!tpu.dma_semaphore, #tpu.memory_space<semaphore_mem>>
      %dma_start3A_39 = arith.constant 0 : i32
      %dma_start3A_40 = tpu.memref_slice %arg4[%add3A_32, %dma_start3A_39] : memref<425984x32xf32, #tpu.memory_space<hbm>> -> memref<3328x32xf32, #tpu.memory_space<hbm>>
      %dma_start3A_41 = arith.constant 0 : i32
      %dma_start3A_42 = tpu.memref_slice %arg4[%add3A_32, %dma_start3A_41] : memref<425984x32xf32, #tpu.memory_space<hbm>> -> memref<3328x32xf32, #tpu.memory_space<hbm>>
      tpu.enqueue_dma source(%arg6 : memref<3328x32xf32, #tpu.memory_space<vmem>>) target(%dma_start3A_42 : memref<3328x32xf32, #tpu.memory_space<hbm>>) target_semaphore(%run_scoped3A : memref<!tpu.dma_semaphore, #tpu.memory_space<semaphore_mem>>)
      %dma_wait3A_43 = arith.constant 0 : i32
      %dma_wait3A_44 = tpu.memref_slice %arg4[%add3A_32, %dma_wait3A_43] : memref<425984x32xf32, #tpu.memory_space<hbm>> -> memref<3328x32xf32, #tpu.memory_space<hbm>>
      %dma_wait3A_45 = arith.constant 0 : i32
      %dma_wait3A_46 = tpu.memref_slice %arg4[%add3A_32, %dma_wait3A_45] : memref<425984x32xf32, #tpu.memory_space<hbm>> -> memref<3328x32xf32, #tpu.memory_space<hbm>>
      tpu.wait_dma2 semaphore(%run_scoped3A : memref<!tpu.dma_semaphore, #tpu.memory_space<semaphore_mem>>) src(%arg6 : memref<3328x32xf32, #tpu.memory_space<vmem>>) dst(%dma_wait3A_46 : memref<3328x32xf32, #tpu.memory_space<hbm>>)
      tpu.yield
    }) : () -> ()
    return
  }
}

module attributes {stable_mosaic.version = 14 : i64} {
  func.func @body(%arg0: i32, %arg1: memref<1x4096x128xf32, #tpu.memory_space<vmem>>, %arg2: memref<128x256xf32, #tpu.memory_space<vmem>>, %arg3: memref<1x256xf32, #tpu.memory_space<vmem>>, %arg4: memref<256x128xf32, #tpu.memory_space<vmem>>, %arg5: memref<128x1xf32, #tpu.memory_space<vmem>>, %arg6: memref<1x32x16384xf32, #tpu.memory_space<vmem>>) attributes {dimension_semantics = [#tpu.dimension_semantics<arbitrary>], iteration_bounds = array<i64: 26>, scalar_prefetch = 0 : i64, scratch_operands = 0 : i64, tpu.core_type = #tpu.core_type<tc>, window_params = [{transform_indices = @transform_0, window_bounds = array<i64: 1, 4096, 128>}, {pipeline_mode = #tpu.pipeline_mode<synchronous>, transform_indices = @transform_1, window_bounds = array<i64: 128, 256>}, {pipeline_mode = #tpu.pipeline_mode<synchronous>, transform_indices = @transform_2, window_bounds = array<i64: 1, 256>}, {pipeline_mode = #tpu.pipeline_mode<synchronous>, transform_indices = @transform_3, window_bounds = array<i64: 256, 128>}, {pipeline_mode = #tpu.pipeline_mode<synchronous>, transform_indices = @transform_4, window_bounds = array<i64: 128, 1>}, {transform_indices = @transform_5, window_bounds = array<i64: 1, 32, 16384>}]} {
    %get3A = arith.constant 0 : index
    %get3A_0 = arith.constant 0 : index
    %get3A_1 = arith.constant 0 : index
    %get3A_2 = vector.load %arg1[%get3A, %get3A_0, %get3A_1] : memref<1x4096x128xf32, #tpu.memory_space<vmem>>, vector<1x4096x128xf32>
    %get3A_3 = vector.shape_cast %get3A_2 : vector<1x4096x128xf32> to vector<4096x128xf32>
    %get3A_4 = arith.constant 0 : index
    %get3A_5 = arith.constant 0 : index
    %get3A_6 = vector.load %arg2[%get3A_4, %get3A_5] : memref<128x256xf32, #tpu.memory_space<vmem>>, vector<128x256xf32>
    %dot_general3A = arith.constant dense<0.000000e+00> : vector<4096x256xf32>
    %dot_general3A_7 = tpu.matmul %get3A_3, %get3A_6, %dot_general3A {dimension_numbers = #tpu.dot_dimension_numbers<[1], [0], [0], [1], [0, 0, 1, 1], [], []>, transpose_lhs_hint = false} : vector<4096x128xf32>, vector<128x256xf32>, vector<4096x256xf32> -> vector<4096x256xf32>
    %get3A_8 = arith.constant 0 : index
    %get3A_9 = arith.constant 0 : index
    %get3A_10 = vector.load %arg3[%get3A_8, %get3A_9] : memref<1x256xf32, #tpu.memory_space<vmem>>, vector<1x256xf32>
    %add3A = vector.broadcast %get3A_10 : vector<1x256xf32> to vector<4096x256xf32>
    %add3A_11 = arith.addf %dot_general3A_7, %add3A : vector<4096x256xf32>
    %max3A = arith.constant 0.000000e+00 : f32
    %max3A_12 = vector.broadcast %max3A : f32 to vector<4096x256xf32>
    %max3A_13 = arith.maximumf %add3A_11, %max3A_12 : vector<4096x256xf32>
    %get3A_14 = arith.constant 0 : index
    %get3A_15 = arith.constant 0 : index
    %get3A_16 = vector.load %arg4[%get3A_14, %get3A_15] : memref<256x128xf32, #tpu.memory_space<vmem>>, vector<256x128xf32>
    %dot_general3A_17 = arith.constant dense<0.000000e+00> : vector<128x4096xf32>
    %dot_general3A_18 = tpu.matmul %get3A_16, %max3A_13, %dot_general3A_17 {dimension_numbers = #tpu.dot_dimension_numbers<[0], [1], [1], [0], [0, 1, 1, 0], [], []>, transpose_lhs_hint = false} : vector<256x128xf32>, vector<4096x256xf32>, vector<128x4096xf32> -> vector<128x4096xf32>
    %get3A_19 = arith.constant 0 : index
    %get3A_20 = arith.constant 0 : index
    %get3A_21 = vector.load %arg5[%get3A_19, %get3A_20] : memref<128x1xf32, #tpu.memory_space<vmem>>, vector<128x1xf32>
    %add3A_22 = vector.broadcast %get3A_21 : vector<128x1xf32> to vector<128x4096xf32>
    %add3A_23 = arith.addf %dot_general3A_18, %add3A_22 : vector<128x4096xf32>
    %slice3A = vector.extract_strided_slice %add3A_23 {offsets = [0, 0], sizes = [32, 4096], strides = [1, 1]} : vector<128x4096xf32> to vector<32x4096xf32>
    %swap3A = arith.constant 0 : index
    %swap3A_24 = arith.constant 0 : index
    %swap3A_25 = arith.constant 0 : index
    %swap3A_26 = vector.load %arg6[%swap3A, %swap3A_24, %swap3A_25] : memref<1x32x16384xf32, #tpu.memory_space<vmem>>, vector<1x32x4096xf32>
    %swap3A_27 = vector.shape_cast %swap3A_26 : vector<1x32x4096xf32> to vector<32x4096xf32>
    %swap3A_28 = vector.shape_cast %slice3A : vector<32x4096xf32> to vector<1x32x4096xf32>
    tpu.vector_store %arg6[%swap3A, %swap3A_24, %swap3A_25], %swap3A_28 {strides = array<i32>} : memref<1x32x16384xf32, #tpu.memory_space<vmem>>, vector<1x32x4096xf32>,
    %slice3A_29 = vector.extract_strided_slice %add3A_23 {offsets = [32, 0], sizes = [32, 4096], strides = [1, 1]} : vector<128x4096xf32> to vector<32x4096xf32>
    %swap3A_30 = arith.constant 0 : index
    %swap3A_31 = arith.constant 0 : index
    %swap3A_32 = arith.constant 4096 : index
    %swap3A_33 = vector.load %arg6[%swap3A_30, %swap3A_31, %swap3A_32] : memref<1x32x16384xf32, #tpu.memory_space<vmem>>, vector<1x32x4096xf32>
    %swap3A_34 = vector.shape_cast %swap3A_33 : vector<1x32x4096xf32> to vector<32x4096xf32>
    %swap3A_35 = vector.shape_cast %slice3A_29 : vector<32x4096xf32> to vector<1x32x4096xf32>
    tpu.vector_store %arg6[%swap3A_30, %swap3A_31, %swap3A_32], %swap3A_35 {strides = array<i32>} : memref<1x32x16384xf32, #tpu.memory_space<vmem>>, vector<1x32x4096xf32>,
    %slice3A_36 = vector.extract_strided_slice %add3A_23 {offsets = [64, 0], sizes = [32, 4096], strides = [1, 1]} : vector<128x4096xf32> to vector<32x4096xf32>
    %swap3A_37 = arith.constant 0 : index
    %swap3A_38 = arith.constant 0 : index
    %swap3A_39 = arith.constant 8192 : index
    %swap3A_40 = vector.load %arg6[%swap3A_37, %swap3A_38, %swap3A_39] : memref<1x32x16384xf32, #tpu.memory_space<vmem>>, vector<1x32x4096xf32>
    %swap3A_41 = vector.shape_cast %swap3A_40 : vector<1x32x4096xf32> to vector<32x4096xf32>
    %swap3A_42 = vector.shape_cast %slice3A_36 : vector<32x4096xf32> to vector<1x32x4096xf32>
    tpu.vector_store %arg6[%swap3A_37, %swap3A_38, %swap3A_39], %swap3A_42 {strides = array<i32>} : memref<1x32x16384xf32, #tpu.memory_space<vmem>>, vector<1x32x4096xf32>,
    %slice3A_43 = vector.extract_strided_slice %add3A_23 {offsets = [96, 0], sizes = [32, 4096], strides = [1, 1]} : vector<128x4096xf32> to vector<32x4096xf32>
    %swap3A_44 = arith.constant 0 : index
    %swap3A_45 = arith.constant 0 : index
    %swap3A_46 = arith.constant 12288 : index
    %swap3A_47 = vector.load %arg6[%swap3A_44, %swap3A_45, %swap3A_46] : memref<1x32x16384xf32, #tpu.memory_space<vmem>>, vector<1x32x4096xf32>
    %swap3A_48 = vector.shape_cast %swap3A_47 : vector<1x32x4096xf32> to vector<32x4096xf32>
    %swap3A_49 = vector.shape_cast %slice3A_43 : vector<32x4096xf32> to vector<1x32x4096xf32>
    tpu.vector_store %arg6[%swap3A_44, %swap3A_45, %swap3A_46], %swap3A_49 {strides = array<i32>} : memref<1x32x16384xf32, #tpu.memory_space<vmem>>, vector<1x32x4096xf32>,
    return
  }
  func.func @transform_0(%arg0: i32) -> (i32, i32, i32) {
    %c0_i32 = arith.constant 0 : i32
    %c0_i32_0 = arith.constant 0 : i32
    %c0_i32_1 = arith.constant 0 : i32
    return %arg0, %c0_i32, %c0_i32_0 : i32, i32, i32
  }
  func.func @transform_1(%arg0: i32) -> (i32, i32) {
    %c0_i32 = arith.constant 0 : i32
    %c0_i32_0 = arith.constant 0 : i32
    %c0_i32_1 = arith.constant 0 : i32
    return %c0_i32, %c0_i32_0 : i32, i32
  }
  func.func @transform_2(%arg0: i32) -> (i32, i32) {
    %c0_i32 = arith.constant 0 : i32
    %c0_i32_0 = arith.constant 0 : i32
    %c0_i32_1 = arith.constant 0 : i32
    return %c0_i32, %c0_i32_0 : i32, i32
  }
  func.func @transform_3(%arg0: i32) -> (i32, i32) {
    %c0_i32 = arith.constant 0 : i32
    %c0_i32_0 = arith.constant 0 : i32
    %c0_i32_1 = arith.constant 0 : i32
    return %c0_i32, %c0_i32_0 : i32, i32
  }
  func.func @transform_4(%arg0: i32) -> (i32, i32) {
    %c0_i32 = arith.constant 0 : i32
    %c0_i32_0 = arith.constant 0 : i32
    %c0_i32_1 = arith.constant 0 : i32
    return %c0_i32, %c0_i32_0 : i32, i32
  }
  func.func @transform_5(%arg0: i32) -> (i32, i32, i32) {
    %c0_i32 = arith.constant 0 : i32
    %c0_i32_0 = arith.constant 0 : i32
    %c0_i32_1 = arith.constant 0 : i32
    return %arg0, %c0_i32, %c0_i32_0 : i32, i32, i32
  }
}

</mosaic_0001>

<sc_bundles>
// kernel: kernel.5.cloned.1.call-start
scs
__scs_entry_jumppad:
0x0: {  	(pc) =	sbr.rel $0x88, $3  }
0x1: {  	(tag) =	ssettag $0x0;
	lr =	simm.s32 $0x1  }
0x2: {  	[smem:$0x3F9B] =	sst lr;
	_ =	strace $0xD0000000  }
0x3: {  	_ = 	snop  }
0x4: {  	_ = 	snop  }
0x5: {  	_ = 	snop  }
0x6: {  	_ = 	snop  }
0x7: {  	_ = 	snop  }
__scs_overlays_trampoline_lowered:
0x8: {  	[smem:$0x3FAA] =	sst s0  }
0x9: {  	[smem:$0x3FAB] =	sst s1  }
0xa: {  	[smem:$0x3FAC] =	sst s2  }
0xb: {  	[smem:$0x3FAD] =	sst s3  }
0xc: {  	[smem:$0x3FAE] =	sst s4  }
0xd: {  	[smem:$0x3FAF] =	sst s5  }
0xe: {  	[smem:$0x3FB0] =	sst s6  }
0xf: {  	[smem:$0x3FB1] =	sst s7  }
0x10: {  	[smem:$0x3FB2] =	sst s8  }
0x11: {  	[smem:$0x3FB3] =	sst s9;
	s0 =	simm.s32 @!p0 $0x0  }
0x12: {  	s1 =	sld [smem:$0x3F99];
	s0 =	simm.s32 @p0 $0x1  }
0x13: {  	[smem:$0x3FB4] =	sst s0;
	s0 =	simm.s32 @!p1 $0x0  }
0x14: {  	s2 =	sld [smem:$0x3F98];
	s0 =	simm.s32 @p1 $0x1  }
0x15: {  	[smem:$0x3FB5] =	sst s0;
	s0 =	simm.s32 @!p2 $0x0  }
0x16: {  	s3 =	sld [smem:$0x3FDB];
	s0 =	simm.s32 @p2 $0x1  }
0x17: {  	s4 =	simm.s32 $0x1BF5;
	[smem:$0x3FB7] =	sst s0  }
0x18: {  	s0 =	sld [smem:$0x3F9A];
	_ =	swait.ge [sflag:s4], $0x0  }
0x19: {  	s7 =	sld [smem:$0x3F9B]  }
0x1a: {  	s8 =	sadd.s32 $0xFFFFE003, lr  }
0x1b: {  	s9 =	sadd.s32 $0xFFFFFEF7, lr;
	s5 =	simm.s32 $0xFFFFFFFF;
	p2 =	slt.u32 s8, $0xFFFFF086  }
0x1c: {  	p1 =	slt.u32 s9, $0xF7A;
	s5 =	simm.s32 @!p2 $0x0  }
0x1d: {  	s5 =	simm.s32 @p1 $0x1;
	p0 =	seq.s32 s7, s2  }
0x1e: {  	s7 =	smul.u32 @!p0 $0xF7A, s2;
	p2 =	seq.s32 @!p0 s5, $0x0  }
0x1f: {  	s9 =	smul.u32 $0xF7A, s1;
	s8 =	simm.s32 @!p0 $0x1BF5;
	p2 =	por !p2, p0  }
0x20: {  	[sflag:s8] =	ssyncset.s32 @!p0 $0xFFFFF086;
	s6 =	sadd.s32 @!p0 s3, s7;
	s7 =	simm.s32 @!p0 $0x108  }
0x21: {  	s3 =	sadd.s32 s3, s9;
	s6 =	sadd.s32 @!p0 $0x88, s6;
	s7 =	simm.s32 @p2 $0x1082  }
0x22: {  	[simem:s7], [sflag:s8] =	dma.local @!p0 [hbm:s6], $0xF7A  }
0x23: {  	s9 =	sor.u32 $0xD0000000, s2;
	s6 =	simm.s32 $0x108;
	_ =	swait.ge @!p0 [sflag:s8], $0x0  }
0x24: {  	s3 =	sadd.s32 $0x88, s3;
	s6 =	simm.s32 @!p1 $0x1082;
	[sflag:s4] =	ssyncset.s32 $0xFFFFF086  }
0x25: {  	[simem:s6], [sflag:s4] =	dma.local [hbm:s3], $0xF7A  }
0x26: {  	[smem:$0x3F9B] =	sst s1;
	(tag) =	ssettag s2;
	_ =	strace s9  }
0x27: {  	s1 =	sld [smem:$0x3FAB]  }
0x28: {  	s2 =	sld [smem:$0x3FAC]  }
0x29: {  	s4 =	sld [smem:$0x3FAE]  }
0x2a: {  	p0 =	seq.s32 s5, $0x0;
	s5 =	sld [smem:$0x3FAF]  }
0x2b: {  	s6 =	sld [smem:$0x3FB0]  }
0x2c: {  	s7 =	sld [smem:$0x3FB1]  }
0x2d: {  	s3 =	simm.s32 $0x108;
	s8 =	sld [smem:$0x3FB2]  }
0x2e: {  	s3 =	simm.s32 @!p0 $0x1082;
	s9 =	sld [smem:$0x3FB3]  }
0x2f: {  	lr =	sadd.s32 s0, s3;
	s0 =	sld [smem:$0x3FAA]  }
0x30: {  	s3 =	sld [smem:$0x3FAD]  }
0x31: {  	[smem:$0x3FB6] =	sst s10  }
0x32: {  	s10 =	sld [smem:$0x3FB4];
	_ =	sdelay $0x3  }
0x33: {  	p0 =	seq.s32 s10, $0x1;
	s10 =	sld [smem:$0x3FB6];
	_ =	sdelay $0x3  }
0x34: {  	[smem:$0x3FB6] =	sst s10  }
0x35: {  	s10 =	sld [smem:$0x3FB5];
	_ =	sdelay $0x3  }
0x36: {  	p1 =	seq.s32 s10, $0x1;
	s10 =	sld [smem:$0x3FB6];
	_ =	sdelay $0x3  }
0x37: {  	[smem:$0x3FB6] =	sst s10  }
0x38: {  	s10 =	sld [smem:$0x3FB7]  }
0x39: {  	_ = 	snop;
	(pc) =	sbr.ind lr, $3  }
0x3a: {  	_ = 	snop  }
0x3b: {  	_ = 	snop  }
0x3c: {  	p2 =	seq.s32 s10, $0x1;
	s10 =	sld [smem:$0x3FB6]  }
0x3d: {  	_ =	shalt  }
0x3e: {  	_ =	shalt  }
0x3f: {  	_ =	shalt  }
0x40: {  	_ =	shalt  }
0x41: {  	_ =	shalt  }
0x42: {  	_ =	shalt  }
0x43: {  	_ =	shalt  }
0x44: {  	_ =	shalt  }
0x45: {  	_ =	shalt  }
0x46: {  	_ =	shalt  }
0x47: {  	_ =	shalt  }
0x48: {  	_ =	shalt  }
0x49: {  	_ =	shalt  }
0x4a: {  	_ =	shalt  }
0x4b: {  	_ =	shalt  }
0x4c: {  	_ =	shalt  }
0x4d: {  	_ =	shalt  }
0x4e: {  	_ =	shalt  }
0x4f: {  	_ =	shalt  }
0x50: {  	_ =	shalt  }
0x51: {  	_ =	shalt  }
0x52: {  	_ =	shalt  }
0x53: {  	_ =	shalt  }
0x54: {  	_ =	shalt  }
0x55: {  	_ =	shalt  }
0x56: {  	_ =	shalt  }
0x57: {  	_ =	shalt  }
0x58: {  	_ =	shalt  }
0x59: {  	_ =	shalt  }
0x5a: {  	_ =	shalt  }
0x5b: {  	_ =	shalt  }
0x5c: {  	_ =	shalt  }
0x5d: {  	_ =	shalt  }
0x5e: {  	_ =	shalt  }
0x5f: {  	_ =	shalt  }
0x60: {  	_ =	shalt  }
0x61: {  	_ =	shalt  }
0x62: {  	_ =	shalt  }
0x63: {  	_ =	shalt  }
0x64: {  	_ =	shalt  }
0x65: {  	_ =	shalt  }
0x66: {  	_ =	shalt  }
0x67: {  	_ =	shalt  }
0x68: {  	_ =	shalt  }
0x69: {  	_ =	shalt  }
0x6a: {  	_ =	shalt  }
0x6b: {  	_ =	shalt  }
0x6c: {  	_ =	shalt  }
0x6d: {  	_ =	shalt  }
0x6e: {  	_ =	shalt  }
0x6f: {  	_ =	shalt  }
0x70: {  	_ =	shalt  }
0x71: {  	_ =	shalt  }
0x72: {  	_ =	shalt  }
0x73: {  	_ =	shalt  }
0x74: {  	_ =	shalt  }
0x75: {  	_ =	shalt  }
0x76: {  	_ =	shalt  }
0x77: {  	_ =	shalt  }
0x78: {  	_ =	shalt  }
0x79: {  	_ =	shalt  }
0x7a: {  	_ =	shalt  }
0x7b: {  	_ =	shalt  }
0x7c: {  	_ =	shalt  }
0x7d: {  	_ =	shalt  }
0x7e: {  	_ =	shalt  }
0x7f: {  	_ =	shalt  }
0x80: {  	_ =	shalt  }
0x81: {  	_ =	shalt  }
0x82: {  	_ =	shalt  }
0x83: {  	_ =	shalt  }
0x84: {  	_ =	shalt  }
0x85: {  	_ =	shalt  }
0x86: {  	_ =	shalt  }
0x87: {  	_ =	shalt  }
.Lfunc_end0:
.L_simem_size_0:
called_computation_lowered:
.L_overlay_start_0:
0x88: {  	s2 =	sld [smem:$0x3FD9]  }
0x89: {  	s3 =	sld [smem:$0x3FFE];
	_ =	sdelay $0x1  }
0x8a: {  	s1 =	srdreg.scid  }
0x8b: {  	s0 =	sand.u32 $0x1, s1  }
0x8c: {  	s17 =	sshll.u32 s0, $0xA;
	s2 =	sadd.s32 s3, s2  }
0x8d: {  	s2 =	sadd.s32 s2, s17  }
0x8e: {  	[smem:$0x3FC2] =	sst s2  }
0x8f: {  	_ = 	snop  }
0x90: {  	s2 =	sld [smem:$0x3FC8];
	(tm) =	ssettm $0x1  }
0x91: {  	s18 =	sld [smem:$0x3FFB];
	_ =	sdelay $0x3  }
0x92: {  	_ =	strace s18  }
0x93: {  	s3 =	sld [smem:$0x3FFC];
	_ =	sdelay $0x3  }
0x94: {  	_ =	strace s3  }
0x95: {  	s3 =	sld [smem:$0x3FFD];
	_ =	sdelay $0x3  }
0x96: {  	_ =	strace s3  }
0x97: {  	_ =	strace $0x8FFFFFFF  }
0x98: {  	s19 =	sld [smem:$0x3FDB];
	_ =	sdelay $0x1  }
0x99: {  	s4 =	simm.s32 $_scs_section_size  }
0x9a: {  	s5 =	simm.s32 $_size__tile_overlayer_lowered;
	s6 =	simm.s32 $_tile_overlayer_lowered  }
0x9b: {  	s22 =	simm.s32 $0x1BFF;
	s21 =	sshll.u32 s6, $0x1;
	s3 =	sadd.s32 s4, s19  }
0x9c: {  	s7 =	simm.s32 $0x0;
	s20 =	sshll.u32 s5, $0x1;
	s5 =	sadd.s32 s21, s3  }
0x9d: {  	[timem:s7], [sflag:s22] =	dma.local [hbm:s5], s20  }
0x9e: {  	_ =	swait.ge [sflag:s22], s20  }
0x9f: {  	s4 =	ssub.s32 $0x0, s20;
	[sflag:s22] =	ssyncset.done $0x0  }
0xa0: {  	[sflag:s22] =	ssyncadd.s32 s4;
	_ =	sdelay $0x1  }
0xa1: {  	s23 =	simm.s32 $0x1B8B  }
0xa2: {  	_ =	swait.ge [sflag:s23], $0x1  }
0xa3: {  	[sflag:s23] =	ssyncset.done $0x0  }
0xa4: {  	s25 =	simm.s32 $0x1B8E;
	s24 =	sld [smem:$0x3FFE];
	[sflag:s23] =	ssyncadd.s32 $0xFFFFFFFF  }
0xa5: {  	s26 =	simm.s32 $execute0_lowered;
	[smem:$0x3FD2] =	sst s25  }
0xa6: {  	s5 =	sshll.u32 s26, $0x1;
	_ =	strace $0x80000046;
	[dreg:$0x1] =	wrdreg $0xFFFFFFFF  }
0xa7: {  	s28 =	simm.s32 $_size_execute0_lowered;
	s3 =	sadd.s32 s3, s5;
	[dreg:$0x0] =	wrdreg $0x0  }
0xa8: {  	s5 =	sshll.u32 s28, $0x1;
	[dreg:$0x2] =	wrdreg s3  }
0xa9: {  	[dreg:$0x3] =	wrdreg s5  }
0xaa: {  	[dreg:$0x4] =	wrdreg $0xC0  }
0xab: {  	_ =	task [dreg:s7], $0x5FFFF  }
0xac: {  	[dreg:$0x1] =	wrdreg $0xFFFFFFFF  }
0xad: {  	[dreg:$0x0] =	wrdreg $0x60  }
0xae: {  	[dreg:$0x2] =	wrdreg s2  }
0xaf: {  	[dreg:$0x3] =	wrdreg s24  }
0xb0: {  	[dreg:$0x4] =	wrdreg $0x9  }
0xb1: {  	_ =	task.clear_ibuf [dreg:s7], $0x5FFFF;
	_ =	strace $0x90000046  }
0xb2: {  	s29 =	simm.s32 $0x9;
	_ =	strace $0x80000048  }
0xb3: {  	_ =	swait.ge [sflag:s29], $0x1  }
0xb4: {  	[sflag:s29] =	ssyncadd.s32 $0xFFFFFFFF  }
0xb5: {  	_ =	strace $0x90000048  }
0xb6: {  	_ =	sfence  }
0xb7: {  	s30 =	sld [smem:$0x0];
	_ =	sdelay $0x2  }
0xb8: {  	s31 =	sshll.u32 s1, $0xD;
	s1 =	sshrl.u32 s1, $0x2  }
0xb9: {  	s3 =	sand.u32 $0x4000, s31;
	s1 =	sadd.s32 s1, s30  }
0xba: {  	s0 =	sor.u32 s3, s0;
	s1 =	sshll.u32 s1, $0x11  }
0xbb: {  	s0 =	sor.u32 s1, s0  }
0xbc: {  	s0 =	sadd.s32 $0x8F2B, s0  }
0xbd: {  	[sflag:s0] =	ssyncadd.remote.s32 $0x1  }
0xbe: {  	_ =	sfence.sel $0xFFFF  }
0xbf: {  	[dreg:$0x0] =	wrdreg $0xFFFFFFFF;
	(pc) =	sbr.abs _section_cstart, $3  }
0xc0: {  	[dreg:$0x1] =	wrdreg $0xFFFFFFFF  }
0xc1: {  	_ =	task.clear_ibuf [dreg:s7], $0x2FFFF;
	_ =	strace $0x9FFFFFFF  }
0xc2: {  	(tm) =	ssettm $0x7FFFFFFF  }
0xc3: {  	_ =	shalt  }
tec
execute0_lowered:
.L_overlay_start_1:
0x0: {  	(tag) =	ssettag $0x1  }
0x1: {  	v0 =	vimm.s32 $0x83624120  }
0x2: {  	v1 =	vimm.s32 $0xE6C5A4;
	v2 =	vimm.s32 $0xA3826140;
	vm0 =	vcmask $0xF00  }
0x3: {  	vm1 =	vcmask $0x1B10;
	vm9 =	vcmask $0x1F1C;
	vm6 =	vcmask $0x1310  }
0x4: {  	vm4 =	vcmask $0x2320;
	vm7 =	vcmask $0x1714;
	vm2 =	vcmask $0xB08  }
0x5: {  	vm8 =	vcmask $0x1B18;
	vm5 =	vcmask $0xF0C;
	v5 =	vimm.s32 $0xE2C1A0  }
0x6: {  	vm3 =	vcmask $0x1F14;
	vm13 =	vcmask $0xB00;
	v7 =	vimm.s32 $0xB6E4D2C  }
0x7: {  	vm14 =	vcmask $0x3B2C;
	v9 =	vimm.s32 $0x8BEECDAC;
	vm15 =	vcmask $0x3728  }
0x8: {  	v10 =	vimm.s32 $0xAB8AEDCC;
	vm12 =	vcmask $0x3324;
	v12 =	vimm.s32 $0xEFCEAD8C  }
0x9: {  	v13 =	vimm.s32 $0x67462504;
	vm10 =	vcmask $0x1708;
	v18 =	vimm.s32 $0x1CF  }
0xa: {  	vm11 =	vcmask $0x1304;
	v19 =	vimm.s32 $0x98765432;
	v23 =	vimm.s32 $0xA9876543  }
0xb: {  	v30 =	vimm.s32 $0x76543210;
	v31 =	vimm.s32 $0x43210FED;
	v0 =	vunpack.c.0.s8.s32 v0  }
0xc: {  	v1 =	vunpack.c.0.s8.s32 v1;
	v2 =	vunpack.c.0.s8.s32 v2;
	v5 =	vunpack.c.0.s8.s32 v5  }
0xd: {  	v7 =	vunpack.c.0.s8.s32 v7;
	v9 =	vunpack.c.0.s8.s32 v9;
	v10 =	vunpack.c.0.s8.s32 v10  }
0xe: {  	v12 =	vunpack.c.0.s8.s32 v12;
	v13 =	vunpack.c.0.s8.s32 v13;
	v19 =	vunpack.c.l.s4.s8 v19  }
0xf: {  	v23 =	vunpack.c.l.s4.s8 v23;
	v30 =	vunpack.c.l.s4.s8 v30;
	v31 =	vunpack.c.l.s4.s8 v31  }
0x10: {  	v0 =	vand.u32 $0xFF, v0;
	v1 =	vand.u32 $0xFF, v1;
	v19 =	vunpack.c.0.s8.s32 v19  }
0x11: {  	v23 =	vunpack.c.0.s8.s32 v23;
	v30 =	vunpack.c.0.s8.s32 v30;
	v0 =	vnsel vm0, $0xF, v0  }
0x12: {  	v0 =	vsel vm1, v1, v0;
	v1 =	vand.u32 $0xFF, v2;
	v2 =	vimm.s32 $0x168  }
0x13: {  	vm1 =	vcmask $0x704;
	v1 =	vnsel vm0, $0x2F, v1;
	v0 =	vsel vm9, $0x107, v0  }
0x14: {  	v2 =	vsel vm1, $0x189, v2;
	vm0 =	vcmask $0x2724;
	v1 =	vsel vm6, $0xC4, v1  }
0x15: {  	v3 =	vsel vm2, $0x1AA, v2;
	v2 =	vsel vm4, $0x128, v0;
	v1 =	vsel vm7, $0xE5, v1  }
0x16: {  	v0 =	vsel vm8, $0x106, v1;
	v1 =	vsel vm5, $0x1CB, v3;
	v3 =	vimm.s32 $0x4F2E0D00  }
0x17: {  	v20 =	vsel vm0, $0x149, v2;
	v2 =	vlaneseq.u32;
	v4 =	vunpack.c.0.s8.s32 v3  }
0x18: {  	v0 =	vsel vm9, $0x127, v0;
	v1 =	vsel vm6, $0x1EC, v1;
	v3 =	vimm.s32 $0xC3A28160  }
0x19: {  	v6 =	vunpack.c.0.s8.s32 v3;
	v3 =	vsel vm4, $0x148, v0;
	v14 =	vsel vm3, v4, v1  }
0x1a: {  	v1 =	vand.u32 $0xFF, v5;
	v4 =	vimm.s32 $0xAF;
	vm3 =	vcmask $0x300  }
0x1b: {  	v5 =	vimm.s32 $0xCF;
	v3 =	vsel vm0, $0x169, v3;
	v0 =	vand.u32 $0xFF, v6  }
0x1c: {  	v1 =	vnsel vm13, $0x8F, v1;
	v4 =	vsel vm3, $0xC0, v4;
	v6 =	vimm.s32 $0xE3C2A180  }
0x1d: {  	v5 =	vsel vm3, $0xE0, v5;
	v0 =	vsel vm6, $0xE4, v0;
	v4 =	vsel vm1, $0xE1, v4  }
0x1e: {  	v6 =	vunpack.c.0.s8.s32 v6;
	v5 =	vsel vm1, $0x101, v5;
	v1 =	vsel vm5, $0x103, v1  }
0x1f: {  	v4 =	vsel vm2, $0x102, v4;
	v5 =	vsel vm2, $0x122, v5;
	v1 =	vsel vm6, $0x124, v1  }
0x20: {  	v0 =	vsel vm7, $0x105, v0;
	v4 =	vsel vm5, $0x123, v4;
	v5 =	vsel vm5, $0x143, v5  }
0x21: {  	v1 =	vsel vm7, $0x145, v1;
	v0 =	vsel vm8, $0x126, v0;
	v5 =	vsel vm6, $0x164, v5  }
0x22: {  	v4 =	vsel vm6, $0x144, v4;
	v1 =	vsel vm8, $0x166, v1;
	v5 =	vsel vm7, $0x185, v5  }
0x23: {  	v15 =	vsel vm9, $0x147, v0;
	v4 =	vsel vm7, $0x165, v4;
	v5 =	vsel vm8, $0x1A6, v5  }
0x24: {  	v1 =	vsel vm9, $0x187, v1;
	v4 =	vsel vm8, $0x186, v4;
	v5 =	vsel vm9, $0x1C7, v5  }
0x25: {  	v8 =	vsel vm4, $0x1E8, v5;
	v5 =	vand.u32 $0xFF, v6;
	v6 =	vimm.s32 $0x100  }
0x26: {  	v1 =	vsel vm4, $0x1A8, v1;
	v0 =	vsel vm6, $0x104, v5;
	v5 =	vsel vm1, $0x121, v6  }
0x27: {  	v4 =	vsel vm9, $0x1A7, v4;
	v1 =	vsel vm0, $0x1C9, v1;
	v5 =	vsel vm2, $0x142, v5  }
0x28: {  	v4 =	vsel vm4, $0x1C8, v4;
	v0 =	vsel vm7, $0x125, v0;
	v5 =	vsel vm5, $0x163, v5  }
0x29: {  	vm4 =	vcmask $0x2B28;
	v0 =	vsel vm8, $0x146, v0;
	v5 =	vsel vm6, $0x184, v5  }
0x2a: {  	v16 =	vsel vm9, $0x167, v0;
	v0 =	vsel vm4, $0x1EA, v1;
	v1 =	vsel vm7, $0x1A5, v5  }
0x2b: {  	v5 =	vand.u32 $0xFF, v7;
	v7 =	vimm.s32 $0x10F;
	v1 =	vsel vm8, $0x1C6, v1  }
0x2c: {  	vm13 =	vcmask $0x2314;
	v32 =	vsel vm9, $0x1E7, v1;
	v1 =	vsel vm3, $0x120, v7  }
0x2d: {  	v18 =	vsel vm3, $0x1E0, v18;
	v14 =	vcombine.low v15, v14;
	v1 =	vsel vm1, $0x141, v1  }
0x2e: {  	v6 =	vimm.s32 $0x188;
	v4 =	vsel vm0, $0x1E9, v4;
	v1 =	vsel vm2, $0x162, v1  }
0x2f: {  	v0 =	vsel vm14, v5, v0;
	v7 =	vimm.s32 $0x76A4928;
	v1 =	vsel vm5, $0x183, v1  }
0x30: {  	v5 =	vimm.s32 $0x2B0A6D4C;
	v7 =	vunpack.c.0.s8.s32 v7;
	v1 =	vsel vm6, $0x1A4, v1  }
0x31: {  	v3 =	vsel vm4, $0x18A, v3;
	v5 =	vunpack.c.0.s8.s32 v5;
	v1 =	vsel vm7, $0x1C5, v1  }
0x32: {  	v7 =	vand.u32 $0xFF, v7;
	v1 =	vsel vm8, $0x1E6, v1;
	vm8 =	vcmask $0x2B1C  }
0x33: {  	v1 =	vsel vm8, v7, v1;
	v7 =	vand.u32 $0xFF, v9;
	v9 =	vimm.s32 $0x12F  }
0x34: {  	v5 =	vand.u32 $0xFF, v5;
	v1 =	vsel vm14, v7, v1;
	v7 =	vsel vm3, $0x140, v9  }
0x35: {  	v6 =	vsel vm1, $0x1A9, v6;
	v5 =	vsel vm15, v5, v4;
	v4 =	vsel vm1, $0x161, v7  }
0x36: {  	v6 =	vsel vm2, $0x1CA, v6;
	v9 =	vimm.s32 $0x27066948;
	v4 =	vsel vm2, $0x182, v4  }
0x37: {  	v7 =	vimm.s32 $0x4B2A096C;
	v9 =	vunpack.c.0.s8.s32 v9;
	v4 =	vsel vm5, $0x1A3, v4  }
0x38: {  	v6 =	vsel vm5, $0x1EB, v6;
	v7 =	vunpack.c.0.s8.s32 v7;
	v4 =	vsel vm6, $0x1C4, v4  }
0x39: {  	v9 =	vand.u32 $0xFF, v9;
	v4 =	vsel vm7, $0x1E5, v4;
	vm7 =	vcmask $0x2718  }
0x3a: {  	v4 =	vsel vm7, v9, v4;
	v9 =	vand.u32 $0xFF, v10;
	v10 =	vimm.s32 $0x14F  }
0x3b: {  	v11 =	vand.u32 $0xFF, v7;
	v7 =	vsel vm15, v9, v4;
	v4 =	vsel vm3, $0x160, v10  }
0x3c: {  	vm9 =	vcmask $0x1B0C;
	v9 =	vimm.s32 $0x47260568;
	v4 =	vsel vm1, $0x181, v4  }
0x3d: {  	v10 =	vimm.s32 $0xCBAA89EC;
	v9 =	vunpack.c.0.s8.s32 v9;
	v4 =	vsel vm2, $0x1A2, v4  }
0x3e: {  	vm14 =	vcmask $0x1F10;
	v10 =	vunpack.c.0.s8.s32 v10;
	v4 =	vsel vm5, $0x1C3, v4  }
0x3f: {  	v8 =	vsel vm12, v11, v8;
	v9 =	vand.u32 $0xFF, v9;
	v4 =	vsel vm6, $0x1E4, v4  }
0x40: {  	v4 =	vsel vm13, v9, v4;
	v9 =	vand.u32 $0xFF, v10;
	v10 =	vimm.s32 $0x16F  }
0x41: {  	v11 =	vimm.s32 $0x6B4A2908;
	v4 =	vsel vm12, v9, v4;
	v9 =	vsel vm3, $0x180, v10  }
0x42: {  	v11 =	vunpack.c.0.s8.s32 v11;
	v10 =	vimm.s32 $0x6F4E2D0C;
	v9 =	vsel vm1, $0x1A1, v9  }
0x43: {  	vm12 =	vcmask $0x2F2C;
	v10 =	vunpack.c.0.s8.s32 v10;
	v9 =	vsel vm2, $0x1C2, v9  }
0x44: {  	vm15 =	vcmask $0x2F20;
	v3 =	vsel vm12, $0x1AB, v3;
	v9 =	vsel vm5, $0x1E3, v9  }
0x45: {  	v17 =	vsel vm14, v10, v6;
	v6 =	vand.u32 $0xFF, v11;
	v10 =	vimm.s32 $0xEBCAA988  }
0x46: {  	v11 =	vand.u32 $0xFF, v12;
	v12 =	vand.u32 $0xFF, v13;
	v13 =	vimm.s32 $0x1AF  }
0x47: {  	v10 =	vunpack.c.0.s8.s32 v10;
	v33 =	vsel vm14, v11, v6;
	v6 =	vsel vm14, v12, v9  }
0x48: {  	v9 =	vimm.s32 $0x18F;
	v11 =	vimm.s32 $0x3664524;
	v12 =	vimm.s32 $0x23026544  }
0x49: {  	vm14 =	vcmask $0x3734;
	v15 =	vcombine.low v16, v17;
	v16 =	vimm.s32 $0xCBA98765  }
0x4a: {  	v9 =	vsel vm3, $0x1A0, v9;
	v11 =	vunpack.c.0.s8.s32 v11;
	v12 =	vunpack.c.0.s8.s32 v12  }
0x4b: {  	v8 =	vsel vm14, $0x8D, v8;
	v24 =	vsel vm14, $0x10D, v4;
	v10 =	vand.u32 $0xFF, v10  }
0x4c: {  	v9 =	vsel vm1, $0x1C1, v9;
	v6 =	vsel vm15, v10, v6;
	v10 =	vimm.s32 $0x87EAC9A8  }
0x4d: {  	v9 =	vsel vm2, $0x1E2, v9;
	v11 =	vand.u32 $0xFF, v11;
	v10 =	vunpack.c.0.s8.s32 v10  }
0x4e: {  	v32 =	vcombine.low v32, v33;
	v12 =	vand.u32 $0xFF, v12;
	v9 =	vsel vm9, v11, v9  }
0x4f: {  	v11 =	vsel vm3, $0x1C0, v13;
	v13 =	vimm.s32 $0xC7A685E8;
	v10 =	vand.u32 $0xFF, v10  }
0x50: {  	v11 =	vsel vm1, $0x1E1, v11;
	v13 =	vunpack.c.0.s8.s32 v13;
	v9 =	vsel vm8, v10, v9  }
0x51: {  	v10 =	vsel vm10, v12, v11;
	v11 =	vimm.s32 $0x43220164;
	v12 =	vimm.s32 $0xA786E9C8  }
0x52: {  	vm15 =	vcmask $0x3B38;
	v11 =	vunpack.c.0.s8.s32 v11;
	v12 =	vunpack.c.0.s8.s32 v12  }
0x53: {  	v5 =	vsel vm15, $0x8E, v5;
	v7 =	vsel vm15, $0x10E, v7;
	v13 =	vand.u32 $0xFF, v13  }
0x54: {  	v9 =	vsel vm12, $0x10B, v9;
	v11 =	vand.u32 $0xFF, v11;
	v12 =	vand.u32 $0xFF, v12  }
0x55: {  	v11 =	vsel vm11, v11, v18;
	v10 =	vsel vm7, v12, v10;
	v12 =	vimm.s32 $0xFEDCBA9  }
0x56: {  	v18 =	vimm.s32 $0x10FEDCBA;
	v11 =	vsel vm13, v13, v11;
	v12 =	vunpack.c.l.s4.s8 v12  }
0x57: {  	v13 =	vimm.s32 $0x87654321;
	v18 =	vunpack.c.l.s4.s8 v18;
	v10 =	vsel vm4, $0x10A, v10  }
0x58: {  	vm13 =	vcmask $0x3330;
	v13 =	vunpack.c.l.s4.s8 v13;
	v11 =	vsel vm0, $0x109, v11  }
0x59: {  	v10 =	vsel vm12, $0x12B, v10;
	v3 =	vsel vm13, $0x1CC, v3;
	v6 =	vsel vm13, $0x10C, v6  }
0x5a: {  	v9 =	vsel vm13, $0x12C, v9;
	v21 =	vunpack.c.0.s8.s32 v12;
	v18 =	vunpack.c.0.s8.s32 v18  }
0x5b: {  	v12 =	vimm.s32 $0x210FEDCB;
	v11 =	vsel vm4, $0x12A, v11;
	v10 =	vsel vm13, $0x14C, v10  }
0x5c: {  	v25 =	vsel vm14, $0x12D, v6;
	v26 =	vsel vm14, $0x14D, v9;
	v6 =	vsel vm15, $0xAE, v8  }
0x5d: {  	v8 =	vsel vm15, $0x12E, v24;
	v22 =	vunpack.c.0.s8.s32 v13;
	v13 =	vsel vm4, $0x16A, v20  }
0x5e: {  	v11 =	vsel vm12, $0x14B, v11;
	v20 =	vunpack.c.l.s4.s8 v12;
	v27 =	vsel vm14, $0x16D, v10  }
0x5f: {  	v9 =	vsel vm15, $0x14E, v25;
	v10 =	vsel vm15, $0x16E, v26;
	v26 =	vimm.s32 $0x3210FEDC  }
0x60: {  	v13 =	vsel vm12, $0x18B, v13;
	v11 =	vsel vm13, $0x16C, v11;
	v25 =	vcombine.low v19, v18  }
0x61: {  	v26 =	vunpack.c.l.s4.s8 v26;
	v35 =	vcombine.low v18, v19;
	v18 =	vimm.s32 $0x6543210F  }
0x62: {  	v19 =	vimm.s32 $0xEDCBA987;
	v12 =	vsel vm13, $0x1AC, v13;
	v13 =	vsel vm14, $0x1ED, v3  }
0x63: {  	v28 =	vsel vm14, $0x18D, v11;
	v11 =	vsel vm15, $0x18E, v27;
	v12 =	vsel vm14, $0x1CD, v12  }
0x64: {  	v3 =	vsel vm15, $0x1EE, v12;
	v12 =	vsel vm15, $0x1AE, v28;
	v28 =	vimm.s32 $0xFEDCBA98  }
0x65: {  	v24 =	vcombine.low v22, v21;
	v20 =	vunpack.c.0.s8.s32 v20;
	v28 =	vunpack.c.l.s4.s8 v28  }
0x66: {  	v27 =	vimm.s32 $0xBA987654;
	v18 =	vunpack.c.l.s4.s8 v18;
	v19 =	vunpack.c.l.s4.s8 v19  }
0x67: {  	v4 =	vsel vm15, $0xE, v13;
	v27 =	vunpack.c.l.s4.s8 v27;
	v28 =	vunpack.c.0.s8.s32 v28  }
0x68: {  	v13 =	vmul.u32 $0x80, v2;
	v26 =	vunpack.c.0.s8.s32 v26;
	v29 =	vcombine.low v23, v20  }
0x69: {  	s0 =	rddreg [dreg:$0x0];
	v36 =	vcombine.low v20, v23;
	v27 =	vunpack.c.0.s8.s32 v27;
	v17 =	vand.u32 $0xF, v28  }
0x6a: {  	s1 =	rddreg [dreg:$0x1];
	s2 =	simm.s32 $0x0;
	s12 =	simm.s32 $0x400;
	v28 =	vunpack.c.0.s8.s32 v31;
	v31 =	vunpack.c.l.s4.s8 v16;
	v16 =	vcombine.low v17, v30  }
0x6b: {  	s4 =	srdreg.scid;
	s3 =	stileid.u32;
	s13 =	simm.s32 $0x7A1400;
	v17 =	vimm.s32 $0x543210FE;
	v30 =	vcombine.low v21, v22;
	v21 =	vimm.s32 $0xDCBA9876  }
0x6c: {  	s14 =	simm.s32 $0x1000;
	s15 =	simm.s32 $0x2000;
	s16 =	simm.s32 $0x3000;
	v34 =	vcombine.low v27, v26;
	v17 =	vunpack.c.l.s4.s8 v17;
	v21 =	vunpack.c.l.s4.s8 v21  }
0x6d: {  	s17 =	simm.s32 $0x1;
	s18 =	simm.s32 $0x8000;
	s19 =	simm.s32 $0x2;
	v20 =	vunpack.c.0.s8.s32 v31;
	v31 =	vcombine.low v26, v27;
	v26 =	vunpack.c.0.s8.s32 v18  }
0x6e: {  	s20 =	simm.s32 $0x4000;
	s21 =	simm.s32 $0xC000;
	s22 =	simm.s32 $0x3;
	v27 =	vunpack.c.0.s8.s32 v19;
	v18 =	vand.u32 $0xF, v25;
	v19 =	vand.u32 $0xF, v29  }
0x6f: {  	[smem:$0x7FF] =	sst s2;
	s5 =	sand.u32 $0x1, s4;
	s7 =	sshll.u32 s3, $0x1;
	v22 =	vunpack.c.0.s8.s32 v17;
	v21 =	vunpack.c.0.s8.s32 v21;
	v23 =	vcombine.low v20, v28  }
0x70: {  	s31 =	sadd.s32 $0x1200, s1;
	s9 =	sadd.s32 $0x180, s0;
	_ =	strace $0x80000047;
	v17 =	vand.u32 $0xF, v24;
	v37 =	vcombine.low v28, v20;
	v25 =	vcombine.low v27, v26  }
.Ltmp0:
0x71: {  	s6 =	ssub.s32 $0x2, s5;
	[dreg:$0x3] =	wrdreg s31;
	v20 =	vand.u32 $0xF, v34;
	v63 =	vcombine.low v26, v27;
	v26 =	vand.u32 $0xF, v35;
	(pc) =	sbr.rel .LBB2_1-.Ltmp0, $4  }
0x72: {  	s23 =	sor.u32 s5, s7;
	s5 =	sadd.s32 $0x1400, s1;
	s1 =	sadd.s32 $0x3D1C00, s1;
	v27 =	vand.u32 $0xF, v36;
	v28 =	vand.u32 $0xF, v31;
	v24 =	vcombine.low v21, v22  }
0x73: {  	s7 =	sadd.s32 $0x80, s0;
	s8 =	sshrl.u32 s6, $0x1;
	[dreg:$0x4] =	wrdreg s1;
	v38 =	vcombine.low v22, v21;
	v21 =	vand.u32 $0xF, v23;
	v23 =	vand.u32 $0xF, v25  }
0x74: {  	p0 =	sne.s32 s23, $0x1F;
	s11 =	ssub.s32 s6, s8;
	s6 =	smul.u32 $0x3E, s23;
	v25 =	vand.u32 $0xF, v30;
	v29 =	vand.u32 $0xF, v37;
	v31 =	vand.u32 $0xF, v63  }
0x75: {  	s8 =	sadd.s32 $0x100, s0;
	s23 =	simm.s32 $0x0;
	s11 =	smax.u32 s11, $0x1;
	v22 =	vand.u32 $0xF, v24;
	v24 =	vmul.u32 $0x21, v2;
	v30 =	vand.u32 $0xF, v38  }
.LBB2_11:
0x76: {  	s1 =	simm.s32 @!p0 $0x0;
	s3 =	simm.s32 @!p0 $0x8000;
	s4 =	rddreg [dreg:$0x3]  }
0x77: {  	[tilespmem:s3], [sflag:$0x5] =	stream.linear.gather @!p0 [hbm4b:s4+s1], $0x800, $0x38;
	[tilespmem:$0x10000] =	vst v63  }
0x78: {  	s4 =	simm.s32 @!p0 $0x5  }
0x79: {  	s23 =	sadd.s32 $0x1, s23;
	_ =	swait.ge @!p0 [sflag:s4], $0x800  }
0x7a: {  	p1 =	sne.s32 s23, s11;
	[sflag:s4] =	ssyncset.done @!p0 $0x0  }
.Ltmp1:
0x7b: {  	s10 =	rddreg [dreg:$0x4];
	[sflag:s4] =	ssyncadd.s32 @!p0 $0xFFFFF800;
	(pc) =	sbr.rel @!p1 .LBB2_12-.Ltmp1, $4  }
0x7c: {  	[hbm4b:s10+s1] =	stream.linear.scatter @!p0 [tilespmem:s3], [sflag:$0x5], $0x800, $0x38;
	[tilespmem:$0x10000] =	vst v63  }
0x7d: {  	_ =	swait.ge @!p0 [sflag:s4], $0x800  }
0x7e: {  	[sflag:s4] =	ssyncset.done @!p0 $0x0  }
0x7f: {  	[sflag:s4] =	ssyncadd.s32 @!p0 $0xFFFFF800  }
.LBB2_1:
.Ltmp2:
0x80: {  	(pc) =	sbr.rel .LBB2_2-.Ltmp2, $2  }
0x81: {  	_ =	sdelay $0x2  }
0x82: {  	s24 =	simm.s32 $0x0  }
.LBB2_9:
0x83: {  	_ =	swait.ge [sflag:s1], $0x4000  }
0x84: {  	[sflag:s1] =	ssyncset.done $0x0  }
0x85: {  	[sflag:s1] =	ssyncadd.s32 $0xFFFFC000  }
.LBB2_10:
0x86: {  	s24 =	sadd.s32 $0x1, s24  }
0x87: {  	p1 =	sne.s32 s24, $0x1F  }
.Ltmp3:
0x88: {  	_ = 	snop;
	(pc) =	sbr.rel @!p1 .LBB2_11-.Ltmp3, $1  }
0x89: {  	_ =	sdelay $0x3  }
.LBB2_2:
0x8a: {  	s1 =	sshll.u32 s24, $0x1  }
0x8b: {  	s26 =	sadd.s32 s6, s1  }
0x8c: {  	p1 =	sgt.u32 s26, $0x7A0  }
.Ltmp4:
0x8d: {  	_ = 	snop;
	(pc) =	sbr.rel @p1 .LBB2_10-.Ltmp4, $1  }
0x8e: {  	_ =	sdelay $0x3  }
0x8f: {  	s1 =	sshll.u32 s26, $0x9  }
0x90: {  	s25 =	sadd.s32 s0, s1  }
0x91: {  	[tilespmem:s2], [sflag:$0x1] =	stream.strided.gather [hbm4b:s25+s12], $0x1000, s13, s12, $0x38;
	[tilespmem:$0x10000] =	vst v63  }
0x92: {  	s3 =	sadd.s32 s1, s7  }
0x93: {  	[tilespmem:s14], [sflag:$0x1] =	stream.strided.gather [hbm4b:s3+s12], $0x1000, s13, s12, $0x38;
	[tilespmem:$0x10000] =	vst v63  }
0x94: {  	s28 =	sadd.s32 s1, s8;
	s25 =	sor.u32 $0x1, s26  }
0x95: {  	[tilespmem:s15], [sflag:$0x1] =	stream.strided.gather [hbm4b:s28+s12], $0x1000, s13, s12, $0x38;
	[tilespmem:$0x10000] =	vst v63  }
0x96: {  	s1 =	sadd.s32 s1, s9;
	p1 =	sgt.u32 s25, $0x7A0  }
0x97: {  	[tilespmem:s16], [sflag:$0x1] =	stream.strided.gather [hbm4b:s1+s12], $0x1000, s13, s12, $0x38;
	[tilespmem:$0x10000] =	vst v63  }
0x98: {  	s29 =	simm.s32 @!p1 $0x400;
	s1 =	sshll.u32 @!p1 s25, $0x9  }
0x99: {  	s30 =	simm.s32 @!p1 $0x7A1400;
	s31 =	simm.s32 @!p1 $0x4000;
	s28 =	sadd.s32 @!p1 s0, s1  }
0x9a: {  	[tilespmem:s31], [sflag:$0x2] =	stream.strided.gather @!p1 [hbm4b:s28+s29], $0x1000, s30, s29, $0x38;
	[tilespmem:$0x10000] =	vst v63  }
0x9b: {  	s28 =	sadd.s32 @!p1 s1, s7;
	s31 =	simm.s32 @!p1 $0x5000  }
0x9c: {  	[tilespmem:s31], [sflag:$0x2] =	stream.strided.gather @!p1 [hbm4b:s28+s29], $0x1000, s30, s29, $0x38;
	[tilespmem:$0x10000] =	vst v63  }
0x9d: {  	s28 =	sadd.s32 @!p1 s1, s8;
	s31 =	simm.s32 @!p1 $0x6000  }
0x9e: {  	[tilespmem:s31], [sflag:$0x2] =	stream.strided.gather @!p1 [hbm4b:s28+s29], $0x1000, s30, s29, $0x38;
	[tilespmem:$0x10000] =	vst v63  }
0x9f: {  	s1 =	sadd.s32 @!p1 s1, s9;
	s28 =	simm.s32 @!p1 $0x7000  }
0xa0: {  	[tilespmem:s28], [sflag:$0x2] =	stream.strided.gather @!p1 [hbm4b:s1+s29], $0x1000, s30, s29, $0x38;
	[tilespmem:$0x10000] =	vst v63  }
0xa1: {  	s4 =	simm.s32 $0x0;
	_ =	swait.ge [sflag:s17], $0x1000  }
0xa2: {  	s28 =	sand.u32 $0x10, s4;
	s29 =	simm.s32 $0x0;
	[sflag:s17] =	ssyncset.done $0x0  }
0xa3: {  	s29 =	sor.u32 s28, s29;
	[sflag:s17] =	ssyncadd.s32 $0xFFFFF000  }
0xa4: {  	v33 =	vmov s29;
	_ =	swait.ge [sflag:s17], $0x1000  }
0xa5: {  	s1 =	sand.u32 $0x7, s4;
	v33 =	vshll.u32 v33, $0x7;
	[sflag:s17] =	ssyncset.done $0x0  }
0xa6: {  	s29 =	sshll.u32 s1, $0x4;
	v33 =	vor.u32 v13, v33;
	[sflag:s17] =	ssyncadd.s32 $0xFFFFF000  }
0xa7: {  	v33 =	vor.u32 s29, v33;
	_ =	swait.ge [sflag:s17], $0x1000  }
0xa8: {  	v34 =	vor.u32 v17, v33;
	[sflag:s17] =	ssyncset.done $0x0  }
0xa9: {  	v35 =	vor.u32 v18, v33;
	[sflag:s17] =	ssyncadd.s32 $0xFFFFF000  }
0xaa: {  	v36 =	vor.u32 v2, v33;
	_ =	swait.ge [sflag:s17], $0x1000  }
0xab: {  	v37 =	vor.u32 v22, v33;
	[sflag:s17] =	ssyncset.done $0x0  }
0xac: {  	s1 =	sshll.u32 s1, $0x9;
	s29 =	simm.s32 $0x0;
	v38 =	vor.u32 v20, v33;
	[sflag:s17] =	ssyncadd.s32 $0xFFFFF000  }
0xad: {  	v39 =	vor.u32 v19, v33;
	s1 =	sor.u32 s1, s29;
	v34 =	vld.idx.msk [tilespmem:v34+s2+$0x0], $0xffff  }
0xae: {  	v40 =	vor.u32 v23, v33;
	s28 =	sor.u32 s28, s1;
	v35 =	vld.idx.msk [tilespmem:v35+s2+$0x0], $0xffff  }
0xaf: {  	v41 =	vor.u32 v21, v33;
	v42 =	vor.u32 s28, v24;
	v36 =	vld.idx.msk [tilespmem:v36+s2+$0x0], $0xffff  }
0xb0: {  	v43 =	vor.u32 s28, v3;
	v37 =	vld.idx.msk [tilespmem:v37+s2+$0x0], $0xffff  }
0xb1: {  	v44 =	vor.u32 s28, v4;
	v38 =	vld.idx.msk [tilespmem:v38+s2+$0x0], $0xffff  }
0xb2: {  	v45 =	vor.u32 s28, v14;
	v39 =	vld.idx.msk [tilespmem:v39+s2+$0x0], $0xffff  }
0xb3: {  	v46 =	vor.u32 s28, v15;
	v40 =	vld.idx.msk [tilespmem:v40+s2+$0x0], $0xffff  }
0xb4: {  	v54 =	vor.u32 s28, v0;
	v41 =	vld.idx.msk [tilespmem:v41+s2+$0x0], $0xffff;
	[tilespmem:v42+s18+$0x0] =	vst.idx.msk $0xffff, v36  }
0xb5: {  	v55 =	vor.u32 s28, v5;
	[tilespmem:v43+s18+$0x0] =	vst.idx.msk $0xffff, v34  }
0xb6: {  	v56 =	vor.u32 s28, v6;
	[tilespmem:v44+s18+$0x0] =	vst.idx.msk $0xffff, v35  }
0xb7: {  	v57 =	vor.u32 v25, v33;
	[tilespmem:v45+s18+$0x0] =	vst.idx.msk $0xffff, v39  }
0xb8: {  	v58 =	vor.u32 v29, v33;
	[tilespmem:v46+s18+$0x0] =	vst.idx.msk $0xffff, v38  }
0xb9: {  	v59 =	vor.u32 v16, v33;
	[tilespmem:v54+s18+$0x0] =	vst.idx.msk $0xffff, v41  }
0xba: {  	v60 =	vor.u32 v26, v33;
	[tilespmem:v55+s18+$0x0] =	vst.idx.msk $0xffff, v37  }
0xbb: {  	v61 =	vor.u32 v27, v33;
	[tilespmem:v56+s18+$0x0] =	vst.idx.msk $0xffff, v40  }
0xbc: {  	s29 =	simm.s32 $0x2;
	v62 =	vor.u32 v28, v33;
	v37 =	vld.idx.msk [tilespmem:v57+s2+$0x0], $0xffff  }
0xbd: {  	s10 =	simm.s32 $0x1;
	s31 =	simm.s32 $0x0;
	v48 =	vor.u32 v31, v33;
	s30 =	sand.u32 $0x10, s29;
	v36 =	vld.idx.msk [tilespmem:v58+s2+$0x0], $0xffff  }
0xbe: {  	s1 =	sand.u32 $0x7, s10;
	s31 =	sor.u32 s30, s31;
	v45 =	vor.u32 v30, v33;
	v39 =	vld.idx.msk [tilespmem:v59+s2+$0x0], $0xffff  }
0xbf: {  	s3 =	simm.s32 $0x0;
	s4 =	sshll.u32 s1, $0x9;
	v63 =	vmov s31;
	v43 =	vor.u32 s28, v32;
	v38 =	vld.idx.msk [tilespmem:v60+s2+$0x0], $0xffff  }
0xc0: {  	v47 =	vor.u32 s28, v8;
	s3 =	sor.u32 s4, s3;
	v44 =	vor.u32 s28, v1;
	v33 =	vshll.u32 v63, $0x7;
	v41 =	vld.idx.msk [tilespmem:v61+s2+$0x0], $0xffff  }
0xc1: {  	s1 =	sshll.u32 s1, $0x4;
	s31 =	sor.u32 s30, s3;
	v34 =	vor.u32 s28, v10;
	v46 =	vor.u32 s28, v7;
	v33 =	vor.u32 v13, v33;
	v42 =	vld.idx.msk [tilespmem:v62+s2+$0x0], $0xffff  }
0xc2: {  	s30 =	simm.s32 $0x2;
	v35 =	vor.u32 s31, v10;
	v33 =	vor.u32 s1, v33;
	v40 =	vld.idx.msk [tilespmem:v48+s2+$0x0], $0xffff;
	v48 =	vor.u32 s28, v9  }
.LBB2_4:
0xc3: {  	p2 =	sne.s32 s30, $0x3F;
	v49 =	vor.u32 v2, v33;
	v45 =	vld.idx.msk [tilespmem:v45+s2+$0x0], $0xffff;
	s1 =	smov.u32 s30;
	s30 =	sadd.s32 $0x1, s30  }
0xc4: {  	v50 =	vor.u32 v17, v33;
	[tilespmem:v43+s18+$0x0] =	vst.idx.msk $0xffff, v39;
	v39 =	vor.u32 s28, v11  }
0xc5: {  	v43 =	vor.u32 v18, v33;
	[tilespmem:v44+s18+$0x0] =	vst.idx.msk $0xffff, v37;
	v37 =	vor.u32 s28, v12;
	s28 =	smov.u32 s31  }
0xc6: {  	v44 =	vor.u32 v19, v33;
	[tilespmem:v46+s18+$0x0] =	vst.idx.msk $0xffff, v38  }
0xc7: {  	v38 =	vor.u32 v20, v33;
	v46 =	vor.u32 v23, v33;
	[tilespmem:v47+s18+$0x0] =	vst.idx.msk $0xffff, v41  }
0xc8: {  	v41 =	vor.u32 v21, v33;
	v47 =	vor.u32 v22, v33;
	[tilespmem:v48+s18+$0x0] =	vst.idx.msk $0xffff, v42  }
0xc9: {  	[tilespmem:v34+s18+$0x0] =	vst.idx.msk $0xffff, v36;
	v34 =	vmov v35  }
0xca: {  	[tilespmem:v39+s18+$0x0] =	vst.idx.msk $0xffff, v45  }
0xcb: {  	[tilespmem:v37+s18+$0x0] =	vst.idx.msk $0xffff, v40  }
0xcc: {  	v35 =	vld.idx.msk [tilespmem:v50+s2+$0x0], $0xffff  }
0xcd: {  	v36 =	vld.idx.msk [tilespmem:v43+s2+$0x0], $0xffff  }
0xce: {  	v37 =	vld.idx.msk [tilespmem:v49+s2+$0x0], $0xffff  }
0xcf: {  	v40 =	vor.u32 s28, v24;
	v39 =	vld.idx.msk [tilespmem:v47+s2+$0x0], $0xffff  }
0xd0: {  	v42 =	vor.u32 s28, v3;
	v38 =	vld.idx.msk [tilespmem:v38+s2+$0x0], $0xffff  }
0xd1: {  	v43 =	vld.idx.msk [tilespmem:v44+s2+$0x0], $0xffff;
	v44 =	vor.u32 s28, v4  }
0xd2: {  	v45 =	vld.idx.msk [tilespmem:v46+s2+$0x0], $0xffff;
	v46 =	vor.u32 s28, v14  }
0xd3: {  	v47 =	vor.u32 s28, v15;
	v41 =	vld.idx.msk [tilespmem:v41+s2+$0x0], $0xffff  }
0xd4: {  	[tilespmem:v40+s18+$0x0] =	vst.idx.msk $0xffff, v37;
	v37 =	vor.u32 s28, v0  }
0xd5: {  	[tilespmem:v42+s18+$0x0] =	vst.idx.msk $0xffff, v35;
	v35 =	vor.u32 s28, v5  }
0xd6: {  	[tilespmem:v44+s18+$0x0] =	vst.idx.msk $0xffff, v36;
	v36 =	vor.u32 s28, v6  }
0xd7: {  	v40 =	vor.u32 v25, v33;
	[tilespmem:v46+s18+$0x0] =	vst.idx.msk $0xffff, v43  }
0xd8: {  	v42 =	vor.u32 v29, v33;
	[tilespmem:v47+s18+$0x0] =	vst.idx.msk $0xffff, v38;
	v38 =	vor.u32 v16, v33  }
0xd9: {  	[tilespmem:v37+s18+$0x0] =	vst.idx.msk $0xffff, v41  }
0xda: {  	[tilespmem:v35+s18+$0x0] =	vst.idx.msk $0xffff, v39;
	v35 =	vor.u32 v26, v33  }
0xdb: {  	s29 =	sadd.s32 $0x2, s29;
	v41 =	vor.u32 v27, v33;
	[tilespmem:v36+s18+$0x0] =	vst.idx.msk $0xffff, v45  }
0xdc: {  	s3 =	sshrl.u32 s1, $0x4;
	s1 =	sand.u32 $0x7, s1;
	s4 =	sand.u32 $0x10, s29;
	v37 =	vld.idx.msk [tilespmem:v40+s2+$0x0], $0xffff;
	v40 =	vor.u32 v28, v33  }
0xdd: {  	s31 =	sshll.u32 s3, $0x5;
	s3 =	sshll.u32 s3, $0xC;
	s10 =	sshll.u32 s1, $0x9;
	v48 =	vor.u32 v31, v33;
	v36 =	vld.idx.msk [tilespmem:v42+s2+$0x0], $0xffff  }
.Ltmp5:
0xde: {  	s31 =	sor.u32 s4, s31;
	s3 =	sor.u32 s10, s3;
	v43 =	vor.u32 s28, v32;
	v45 =	vor.u32 v30, v33;
	v39 =	vld.idx.msk [tilespmem:v38+s2+$0x0], $0xffff;
	(pc) =	sbr.rel @p2 .LBB2_4-.Ltmp5, $4  }
0xdf: {  	v44 =	vor.u32 s28, v1;
	v33 =	vmov s31;
	s31 =	sor.u32 s4, s3;
	v38 =	vld.idx.msk [tilespmem:v35+s2+$0x0], $0xffff  }
0xe0: {  	v46 =	vor.u32 s28, v7;
	v33 =	vshll.u32 v33, $0x7;
	v35 =	vor.u32 s31, v10;
	v41 =	vld.idx.msk [tilespmem:v41+s2+$0x0], $0xffff  }
0xe1: {  	s1 =	sshll.u32 s1, $0x4;
	v47 =	vor.u32 s28, v8;
	v33 =	vor.u32 v13, v33;
	v42 =	vld.idx.msk [tilespmem:v40+s2+$0x0], $0xffff  }
0xe2: {  	v33 =	vor.u32 s1, v33;
	v40 =	vld.idx.msk [tilespmem:v48+s2+$0x0], $0xffff;
	v48 =	vor.u32 s28, v9  }
0xe3: {  	_ =	sdelay $0x3  }
0xe4: {  	v45 =	vld.idx.msk [tilespmem:v45+s2+$0x0], $0xffff;
	[tilespmem:v43+s18+$0x0] =	vst.idx.msk $0xffff, v39  }
0xe5: {  	v62 =	vor.u32 s28, v11;
	[tilespmem:v44+s18+$0x0] =	vst.idx.msk $0xffff, v37  }
0xe6: {  	v63 =	vor.u32 s28, v12;
	[tilespmem:v46+s18+$0x0] =	vst.idx.msk $0xffff, v38  }
0xe7: {  	v49 =	vor.u32 v17, v33;
	[tilespmem:v47+s18+$0x0] =	vst.idx.msk $0xffff, v41  }
0xe8: {  	v50 =	vor.u32 v18, v33;
	[tilespmem:v48+s18+$0x0] =	vst.idx.msk $0xffff, v42  }
0xe9: {  	v51 =	vor.u32 v2, v33;
	[tilespmem:v34+s18+$0x0] =	vst.idx.msk $0xffff, v36  }
0xea: {  	v52 =	vor.u32 v22, v33;
	[tilespmem:v62+s18+$0x0] =	vst.idx.msk $0xffff, v45  }
0xeb: {  	v53 =	vor.u32 v20, v33;
	[tilespmem:v63+s18+$0x0] =	vst.idx.msk $0xffff, v40  }
0xec: {  	v54 =	vor.u32 v19, v33;
	v38 =	vld.idx.msk [tilespmem:v49+s2+$0x0], $0xffff  }
0xed: {  	v55 =	vor.u32 v23, v33;
	v40 =	vld.idx.msk [tilespmem:v50+s2+$0x0], $0xffff  }
0xee: {  	v56 =	vor.u32 v21, v33;
	v57 =	vor.u32 s31, v24;
	v42 =	vld.idx.msk [tilespmem:v51+s2+$0x0], $0xffff  }
0xef: {  	v58 =	vor.u32 s31, v3;
	v34 =	vld.idx.msk [tilespmem:v52+s2+$0x0], $0xffff  }
0xf0: {  	v59 =	vor.u32 s31, v4;
	v36 =	vld.idx.msk [tilespmem:v53+s2+$0x0], $0xffff  }
0xf1: {  	v60 =	vor.u32 s31, v14;
	v37 =	vld.idx.msk [tilespmem:v54+s2+$0x0], $0xffff  }
0xf2: {  	v61 =	vor.u32 s31, v15;
	v39 =	vld.idx.msk [tilespmem:v55+s2+$0x0], $0xffff  }
0xf3: {  	v62 =	vor.u32 s31, v0;
	v41 =	vld.idx.msk [tilespmem:v56+s2+$0x0], $0xffff;
	[tilespmem:v57+s18+$0x0] =	vst.idx.msk $0xffff, v42  }
0xf4: {  	v63 =	vor.u32 s31, v5;
	[tilespmem:v58+s18+$0x0] =	vst.idx.msk $0xffff, v38  }
0xf5: {  	v48 =	vor.u32 s31, v6;
	[tilespmem:v59+s18+$0x0] =	vst.idx.msk $0xffff, v40  }
0xf6: {  	v49 =	vor.u32 v25, v33;
	[tilespmem:v60+s18+$0x0] =	vst.idx.msk $0xffff, v37  }
0xf7: {  	v50 =	vor.u32 v29, v33;
	[tilespmem:v61+s18+$0x0] =	vst.idx.msk $0xffff, v36  }
0xf8: {  	v51 =	vor.u32 v16, v33;
	[tilespmem:v62+s18+$0x0] =	vst.idx.msk $0xffff, v41  }
0xf9: {  	v52 =	vor.u32 v26, v33;
	[tilespmem:v63+s18+$0x0] =	vst.idx.msk $0xffff, v34  }
0xfa: {  	v53 =	vor.u32 v27, v33;
	[tilespmem:v48+s18+$0x0] =	vst.idx.msk $0xffff, v39  }
0xfb: {  	v54 =	vor.u32 v28, v33;
	v37 =	vld.idx.msk [tilespmem:v49+s2+$0x0], $0xffff  }
0xfc: {  	v55 =	vor.u32 v31, v33;
	v36 =	vld.idx.msk [tilespmem:v50+s2+$0x0], $0xffff  }
0xfd: {  	v56 =	vor.u32 v30, v33;
	v57 =	vor.u32 s31, v32;
	v41 =	vld.idx.msk [tilespmem:v51+s2+$0x0], $0xffff  }
0xfe: {  	v58 =	vor.u32 s31, v1;
	v34 =	vld.idx.msk [tilespmem:v52+s2+$0x0], $0xffff  }
0xff: {  	v59 =	vor.u32 s31, v7;
	v38 =	vld.idx.msk [tilespmem:v53+s2+$0x0], $0xffff  }
0x100: {  	v60 =	vor.u32 s31, v8;
	v39 =	vld.idx.msk [tilespmem:v54+s2+$0x0], $0xffff  }
0x101: {  	v61 =	vor.u32 s31, v9;
	v40 =	vld.idx.msk [tilespmem:v55+s2+$0x0], $0xffff  }
0x102: {  	v33 =	vld.idx.msk [tilespmem:v56+s2+$0x0], $0xffff;
	[tilespmem:v57+s18+$0x0] =	vst.idx.msk $0xffff, v41  }
0x103: {  	v62 =	vor.u32 s31, v11;
	[tilespmem:v58+s18+$0x0] =	vst.idx.msk $0xffff, v37  }
0x104: {  	v63 =	vor.u32 s31, v12;
	[tilespmem:v59+s18+$0x0] =	vst.idx.msk $0xffff, v34  }
0x105: {  	[tilespmem:v60+s18+$0x0] =	vst.idx.msk $0xffff, v38  }
0x106: {  	[tilespmem:v61+s18+$0x0] =	vst.idx.msk $0xffff, v39  }
.Ltmp6:
0x107: {  	[tilespmem:v35+s18+$0x0] =	vst.idx.msk $0xffff, v36;
	(pc) =	sbr.rel @p1 .LBB2_9-.Ltmp6, $4  }
0x108: {  	s1 =	sshll.u32 s26, $0xB;
	[tilespmem:v62+s18+$0x0] =	vst.idx.msk $0xffff, v33  }
0x109: {  	s1 =	sadd.s32 s5, s1;
	[tilespmem:v63+s18+$0x0] =	vst.idx.msk $0xffff, v40  }
0x10a: {  	[hbm4b:s1+s2] =	stream.linear.scatter [tilespmem:s18], [sflag:$0x3], $0x4000, $0x38;
	[tilespmem:$0x10000] =	vst v63  }
0x10b: {  	s1 =	simm.s32 $0x3  }
0x10c: {  	_ =	swait.ge [sflag:s19], $0x1000;
	s1 =	simm.s32 $0x0  }
0x10d: {  	s4 =	simm.s32 $0x0;
	[sflag:s19] =	ssyncset.done $0x0;
	s3 =	sand.u32 $0x10, s1  }
0x10e: {  	[sflag:s19] =	ssyncadd.s32 $0xFFFFF000;
	s4 =	sor.u32 s3, s4  }
0x10f: {  	_ =	swait.ge [sflag:s19], $0x1000;
	v33 =	vmov s4  }
0x110: {  	s1 =	sand.u32 $0x7, s1;
	[sflag:s19] =	ssyncset.done $0x0;
	v33 =	vshll.u32 v33, $0x7  }
0x111: {  	s26 =	sshll.u32 s1, $0x4;
	[sflag:s19] =	ssyncadd.s32 $0xFFFFF000;
	v33 =	vor.u32 v13, v33  }
0x112: {  	_ =	swait.ge [sflag:s19], $0x1000;
	v33 =	vor.u32 s26, v33  }
0x113: {  	[sflag:s19] =	ssyncset.done $0x0;
	v34 =	vor.u32 v17, v33  }
0x114: {  	v35 =	vor.u32 v18, v33;
	[sflag:s19] =	ssyncadd.s32 $0xFFFFF000  }
0x115: {  	v36 =	vor.u32 v2, v33;
	_ =	swait.ge [sflag:s19], $0x1000  }
0x116: {  	v37 =	vor.u32 v22, v33;
	[sflag:s19] =	ssyncset.done $0x0  }
0x117: {  	s31 =	simm.s32 $0x0;
	s1 =	sshll.u32 s1, $0x9;
	v38 =	vor.u32 v20, v33;
	[sflag:s19] =	ssyncadd.s32 $0xFFFFF000  }
0x118: {  	s1 =	sor.u32 s1, s31;
	v39 =	vor.u32 v19, v33;
	v34 =	vld.idx.msk [tilespmem:v34+s20+$0x0], $0xffff  }
0x119: {  	s26 =	sor.u32 s3, s1;
	v40 =	vor.u32 v23, v33;
	v35 =	vld.idx.msk [tilespmem:v35+s20+$0x0], $0xffff  }
0x11a: {  	v41 =	vor.u32 v21, v33;
	v42 =	vor.u32 s26, v24;
	v36 =	vld.idx.msk [tilespmem:v36+s20+$0x0], $0xffff  }
0x11b: {  	v43 =	vor.u32 s26, v3;
	v37 =	vld.idx.msk [tilespmem:v37+s20+$0x0], $0xffff  }
0x11c: {  	v44 =	vor.u32 s26, v4;
	v38 =	vld.idx.msk [tilespmem:v38+s20+$0x0], $0xffff  }
0x11d: {  	v45 =	vor.u32 s26, v14;
	v39 =	vld.idx.msk [tilespmem:v39+s20+$0x0], $0xffff  }
0x11e: {  	v46 =	vor.u32 s26, v15;
	v40 =	vld.idx.msk [tilespmem:v40+s20+$0x0], $0xffff  }
0x11f: {  	v54 =	vor.u32 s26, v0;
	v41 =	vld.idx.msk [tilespmem:v41+s20+$0x0], $0xffff;
	[tilespmem:v42+s21+$0x0] =	vst.idx.msk $0xffff, v36  }
0x120: {  	v55 =	vor.u32 s26, v5;
	[tilespmem:v43+s21+$0x0] =	vst.idx.msk $0xffff, v34  }
0x121: {  	v56 =	vor.u32 s26, v6;
	[tilespmem:v44+s21+$0x0] =	vst.idx.msk $0xffff, v35  }
0x122: {  	v57 =	vor.u32 v25, v33;
	[tilespmem:v45+s21+$0x0] =	vst.idx.msk $0xffff, v39  }
0x123: {  	v58 =	vor.u32 v29, v33;
	[tilespmem:v46+s21+$0x0] =	vst.idx.msk $0xffff, v38  }
0x124: {  	v59 =	vor.u32 v16, v33;
	[tilespmem:v54+s21+$0x0] =	vst.idx.msk $0xffff, v41  }
0x125: {  	v60 =	vor.u32 v26, v33;
	[tilespmem:v55+s21+$0x0] =	vst.idx.msk $0xffff, v37  }
0x126: {  	v61 =	vor.u32 v27, v33;
	[tilespmem:v56+s21+$0x0] =	vst.idx.msk $0xffff, v40  }
0x127: {  	s28 =	simm.s32 $0x2;
	v62 =	vor.u32 v28, v33;
	v37 =	vld.idx.msk [tilespmem:v57+s20+$0x0], $0xffff  }
0x128: {  	s10 =	simm.s32 $0x1;
	s31 =	simm.s32 $0x0;
	s3 =	sand.u32 $0x10, s28;
	v48 =	vor.u32 v31, v33;
	v36 =	vld.idx.msk [tilespmem:v58+s20+$0x0], $0xffff  }
0x129: {  	s1 =	sand.u32 $0x7, s10;
	s4 =	sor.u32 s3, s31;
	v45 =	vor.u32 v30, v33;
	v39 =	vld.idx.msk [tilespmem:v59+s20+$0x0], $0xffff  }
0x12a: {  	s10 =	simm.s32 $0x0;
	s29 =	sshll.u32 s1, $0x9;
	v63 =	vmov s4;
	v43 =	vor.u32 s26, v32;
	v38 =	vld.idx.msk [tilespmem:v60+s20+$0x0], $0xffff  }
0x12b: {  	v47 =	vor.u32 s26, v8;
	s10 =	sor.u32 s29, s10;
	v44 =	vor.u32 s26, v1;
	v33 =	vshll.u32 v63, $0x7;
	v41 =	vld.idx.msk [tilespmem:v61+s20+$0x0], $0xffff  }
0x12c: {  	s1 =	sshll.u32 s1, $0x4;
	s30 =	sor.u32 s3, s10;
	v34 =	vor.u32 s26, v10;
	v46 =	vor.u32 s26, v7;
	v33 =	vor.u32 v13, v33;
	v42 =	vld.idx.msk [tilespmem:v62+s20+$0x0], $0xffff  }
0x12d: {  	s29 =	simm.s32 $0x2;
	v35 =	vor.u32 s30, v10;
	v33 =	vor.u32 s1, v33;
	v40 =	vld.idx.msk [tilespmem:v48+s20+$0x0], $0xffff;
	v48 =	vor.u32 s26, v9  }
.LBB2_7:
0x12e: {  	p1 =	sne.s32 s29, $0x3F;
	v49 =	vor.u32 v2, v33;
	v45 =	vld.idx.msk [tilespmem:v45+s20+$0x0], $0xffff;
	s1 =	smov.u32 s29;
	s29 =	sadd.s32 $0x1, s29  }
0x12f: {  	v50 =	vor.u32 v17, v33;
	[tilespmem:v43+s21+$0x0] =	vst.idx.msk $0xffff, v39;
	v39 =	vor.u32 s26, v11  }
0x130: {  	v43 =	vor.u32 v18, v33;
	[tilespmem:v44+s21+$0x0] =	vst.idx.msk $0xffff, v37;
	v37 =	vor.u32 s26, v12;
	s26 =	smov.u32 s30  }
0x131: {  	v44 =	vor.u32 v19, v33;
	[tilespmem:v46+s21+$0x0] =	vst.idx.msk $0xffff, v38  }
0x132: {  	v38 =	vor.u32 v20, v33;
	v46 =	vor.u32 v23, v33;
	[tilespmem:v47+s21+$0x0] =	vst.idx.msk $0xffff, v41  }
0x133: {  	v41 =	vor.u32 v21, v33;
	v47 =	vor.u32 v22, v33;
	[tilespmem:v48+s21+$0x0] =	vst.idx.msk $0xffff, v42  }
0x134: {  	[tilespmem:v34+s21+$0x0] =	vst.idx.msk $0xffff, v36;
	v34 =	vmov v35  }
0x135: {  	[tilespmem:v39+s21+$0x0] =	vst.idx.msk $0xffff, v45  }
0x136: {  	[tilespmem:v37+s21+$0x0] =	vst.idx.msk $0xffff, v40  }
0x137: {  	v35 =	vld.idx.msk [tilespmem:v50+s20+$0x0], $0xffff  }
0x138: {  	v36 =	vld.idx.msk [tilespmem:v43+s20+$0x0], $0xffff  }
0x139: {  	v37 =	vld.idx.msk [tilespmem:v49+s20+$0x0], $0xffff  }
0x13a: {  	v40 =	vor.u32 s26, v24;
	v39 =	vld.idx.msk [tilespmem:v47+s20+$0x0], $0xffff  }
0x13b: {  	v42 =	vor.u32 s26, v3;
	v38 =	vld.idx.msk [tilespmem:v38+s20+$0x0], $0xffff  }
0x13c: {  	v43 =	vld.idx.msk [tilespmem:v44+s20+$0x0], $0xffff;
	v44 =	vor.u32 s26, v4  }
0x13d: {  	v45 =	vld.idx.msk [tilespmem:v46+s20+$0x0], $0xffff;
	v46 =	vor.u32 s26, v14  }
0x13e: {  	v47 =	vor.u32 s26, v15;
	v41 =	vld.idx.msk [tilespmem:v41+s20+$0x0], $0xffff  }
0x13f: {  	[tilespmem:v40+s21+$0x0] =	vst.idx.msk $0xffff, v37;
	v37 =	vor.u32 s26, v0  }
0x140: {  	[tilespmem:v42+s21+$0x0] =	vst.idx.msk $0xffff, v35;
	v35 =	vor.u32 s26, v5  }
0x141: {  	[tilespmem:v44+s21+$0x0] =	vst.idx.msk $0xffff, v36;
	v36 =	vor.u32 s26, v6  }
0x142: {  	v40 =	vor.u32 v25, v33;
	[tilespmem:v46+s21+$0x0] =	vst.idx.msk $0xffff, v43  }
0x143: {  	v42 =	vor.u32 v29, v33;
	[tilespmem:v47+s21+$0x0] =	vst.idx.msk $0xffff, v38;
	v38 =	vor.u32 v16, v33  }
0x144: {  	[tilespmem:v37+s21+$0x0] =	vst.idx.msk $0xffff, v41  }
0x145: {  	[tilespmem:v35+s21+$0x0] =	vst.idx.msk $0xffff, v39;
	v35 =	vor.u32 v26, v33  }
0x146: {  	s28 =	sadd.s32 $0x2, s28;
	v41 =	vor.u32 v27, v33;
	[tilespmem:v36+s21+$0x0] =	vst.idx.msk $0xffff, v45  }
0x147: {  	s3 =	sshrl.u32 s1, $0x4;
	s1 =	sand.u32 $0x7, s1;
	s4 =	sand.u32 $0x10, s28;
	v37 =	vld.idx.msk [tilespmem:v40+s20+$0x0], $0xffff;
	v40 =	vor.u32 v28, v33  }
0x148: {  	s10 =	sshll.u32 s3, $0x5;
	s3 =	sshll.u32 s3, $0xC;
	s30 =	sshll.u32 s1, $0x9;
	v48 =	vor.u32 v31, v33;
	v36 =	vld.idx.msk [tilespmem:v42+s20+$0x0], $0xffff  }
.Ltmp7:
0x149: {  	s10 =	sor.u32 s4, s10;
	s3 =	sor.u32 s30, s3;
	v43 =	vor.u32 s26, v32;
	v45 =	vor.u32 v30, v33;
	v39 =	vld.idx.msk [tilespmem:v38+s20+$0x0], $0xffff;
	(pc) =	sbr.rel @p1 .LBB2_7-.Ltmp7, $4  }
0x14a: {  	s30 =	sor.u32 s4, s3;
	v44 =	vor.u32 s26, v1;
	v33 =	vmov s10;
	v38 =	vld.idx.msk [tilespmem:v35+s20+$0x0], $0xffff  }
0x14b: {  	v46 =	vor.u32 s26, v7;
	v33 =	vshll.u32 v33, $0x7;
	v35 =	vor.u32 s30, v10;
	v41 =	vld.idx.msk [tilespmem:v41+s20+$0x0], $0xffff  }
0x14c: {  	s1 =	sshll.u32 s1, $0x4;
	v47 =	vor.u32 s26, v8;
	v33 =	vor.u32 v13, v33;
	v42 =	vld.idx.msk [tilespmem:v40+s20+$0x0], $0xffff  }
0x14d: {  	v33 =	vor.u32 s1, v33;
	v40 =	vld.idx.msk [tilespmem:v48+s20+$0x0], $0xffff;
	v48 =	vor.u32 s26, v9  }
0x14e: {  	_ =	sdelay $0x3  }
0x14f: {  	v45 =	vld.idx.msk [tilespmem:v45+s20+$0x0], $0xffff;
	[tilespmem:v43+s21+$0x0] =	vst.idx.msk $0xffff, v39  }
0x150: {  	v62 =	vor.u32 s26, v11;
	[tilespmem:v44+s21+$0x0] =	vst.idx.msk $0xffff, v37  }
0x151: {  	v63 =	vor.u32 s26, v12;
	[tilespmem:v46+s21+$0x0] =	vst.idx.msk $0xffff, v38  }
0x152: {  	v49 =	vor.u32 v17, v33;
	[tilespmem:v47+s21+$0x0] =	vst.idx.msk $0xffff, v41  }
0x153: {  	v50 =	vor.u32 v18, v33;
	[tilespmem:v48+s21+$0x0] =	vst.idx.msk $0xffff, v42  }
0x154: {  	v51 =	vor.u32 v2, v33;
	[tilespmem:v34+s21+$0x0] =	vst.idx.msk $0xffff, v36  }
0x155: {  	v52 =	vor.u32 v22, v33;
	[tilespmem:v62+s21+$0x0] =	vst.idx.msk $0xffff, v45  }
0x156: {  	v53 =	vor.u32 v20, v33;
	[tilespmem:v63+s21+$0x0] =	vst.idx.msk $0xffff, v40  }
0x157: {  	v54 =	vor.u32 v19, v33;
	v38 =	vld.idx.msk [tilespmem:v49+s20+$0x0], $0xffff  }
0x158: {  	v55 =	vor.u32 v23, v33;
	v40 =	vld.idx.msk [tilespmem:v50+s20+$0x0], $0xffff  }
0x159: {  	v56 =	vor.u32 v21, v33;
	v57 =	vor.u32 s30, v24;
	v42 =	vld.idx.msk [tilespmem:v51+s20+$0x0], $0xffff  }
0x15a: {  	v58 =	vor.u32 s30, v3;
	v34 =	vld.idx.msk [tilespmem:v52+s20+$0x0], $0xffff  }
0x15b: {  	v59 =	vor.u32 s30, v4;
	v36 =	vld.idx.msk [tilespmem:v53+s20+$0x0], $0xffff  }
0x15c: {  	v60 =	vor.u32 s30, v14;
	v37 =	vld.idx.msk [tilespmem:v54+s20+$0x0], $0xffff  }
0x15d: {  	v61 =	vor.u32 s30, v15;
	v39 =	vld.idx.msk [tilespmem:v55+s20+$0x0], $0xffff  }
0x15e: {  	v62 =	vor.u32 s30, v0;
	v41 =	vld.idx.msk [tilespmem:v56+s20+$0x0], $0xffff;
	[tilespmem:v57+s21+$0x0] =	vst.idx.msk $0xffff, v42  }
0x15f: {  	v63 =	vor.u32 s30, v5;
	[tilespmem:v58+s21+$0x0] =	vst.idx.msk $0xffff, v38  }
0x160: {  	v48 =	vor.u32 s30, v6;
	[tilespmem:v59+s21+$0x0] =	vst.idx.msk $0xffff, v40  }
0x161: {  	v49 =	vor.u32 v25, v33;
	[tilespmem:v60+s21+$0x0] =	vst.idx.msk $0xffff, v37  }
0x162: {  	v50 =	vor.u32 v29, v33;
	[tilespmem:v61+s21+$0x0] =	vst.idx.msk $0xffff, v36  }
0x163: {  	v51 =	vor.u32 v16, v33;
	[tilespmem:v62+s21+$0x0] =	vst.idx.msk $0xffff, v41  }
0x164: {  	v52 =	vor.u32 v26, v33;
	[tilespmem:v63+s21+$0x0] =	vst.idx.msk $0xffff, v34  }
0x165: {  	v53 =	vor.u32 v27, v33;
	[tilespmem:v48+s21+$0x0] =	vst.idx.msk $0xffff, v39  }
0x166: {  	v54 =	vor.u32 v28, v33;
	v37 =	vld.idx.msk [tilespmem:v49+s20+$0x0], $0xffff  }
0x167: {  	v55 =	vor.u32 v31, v33;
	v36 =	vld.idx.msk [tilespmem:v50+s20+$0x0], $0xffff  }
0x168: {  	v56 =	vor.u32 v30, v33;
	v57 =	vor.u32 s30, v32;
	v41 =	vld.idx.msk [tilespmem:v51+s20+$0x0], $0xffff  }
0x169: {  	v58 =	vor.u32 s30, v1;
	v34 =	vld.idx.msk [tilespmem:v52+s20+$0x0], $0xffff  }
0x16a: {  	v59 =	vor.u32 s30, v7;
	v38 =	vld.idx.msk [tilespmem:v53+s20+$0x0], $0xffff  }
0x16b: {  	v60 =	vor.u32 s30, v8;
	v39 =	vld.idx.msk [tilespmem:v54+s20+$0x0], $0xffff  }
0x16c: {  	v61 =	vor.u32 s30, v9;
	v40 =	vld.idx.msk [tilespmem:v55+s20+$0x0], $0xffff  }
0x16d: {  	v33 =	vld.idx.msk [tilespmem:v56+s20+$0x0], $0xffff;
	[tilespmem:v57+s21+$0x0] =	vst.idx.msk $0xffff, v41  }
0x16e: {  	v62 =	vor.u32 s30, v11;
	[tilespmem:v58+s21+$0x0] =	vst.idx.msk $0xffff, v37  }
0x16f: {  	v63 =	vor.u32 s30, v12;
	[tilespmem:v59+s21+$0x0] =	vst.idx.msk $0xffff, v34  }
0x170: {  	[tilespmem:v60+s21+$0x0] =	vst.idx.msk $0xffff, v38  }
0x171: {  	[tilespmem:v61+s21+$0x0] =	vst.idx.msk $0xffff, v39  }
0x172: {  	[tilespmem:v35+s21+$0x0] =	vst.idx.msk $0xffff, v36  }
0x173: {  	s1 =	sshll.u32 s25, $0xB;
	[tilespmem:v62+s21+$0x0] =	vst.idx.msk $0xffff, v33  }
.Ltmp8:
0x174: {  	s1 =	sadd.s32 s5, s1;
	[tilespmem:v63+s21+$0x0] =	vst.idx.msk $0xffff, v40;
	(pc) =	sbr.rel .LBB2_9-.Ltmp8, $4  }
0x175: {  	[hbm4b:s1+s2] =	stream.linear.scatter [tilespmem:s21], [sflag:$0x4], $0x4000, $0x38;
	[tilespmem:$0x10000] =	vst v63  }
0x176: {  	_ =	swait.ge [sflag:s22], $0x4000  }
0x177: {  	[sflag:s22] =	ssyncset.done $0x0  }
0x178: {  	s1 =	simm.s32 $0x4;
	[sflag:s22] =	ssyncadd.s32 $0xFFFFC000  }
.LBB2_12:
0x179: {  	_ =	sfence.sel $0x180000  }
0x17a: {  	[bflag:$0x0] =	sbarrier.arrive $0xFFFF  }
0x17b: {  	_ =	strace $0x90000047  }
0x17c: {  	s0 =	stileid.u32;
	[bflag:$0x2] =	sbarrier.arrive $0xFFFF  }
0x17d: {  	p0 =	sne.s32 s0, $0x0;
	s0 =	rddreg [dreg:$0x2]  }
0x17e: {  	s0 =	sadd.s32 @!p0 $0x100000, s0  }
0x17f: {  	[sflag:s0] =	ssyncadd.tile.s32 @!p0 $0x1;
	_ =	shalt  }
.Lfunc_end2:
_tile_overlayer_lowered:
.L_overlay_start_2:
0x180: {  	(tag) =	ssettag $0x2  }
0x181: {  	s0 =	rddreg [dreg:$0x0];
	s2 =	stileid.u32  }
0x182: {  	s1 =	rddreg [dreg:$0x1];
	p0 =	sne.s32 s2, $0x0  }
0x183: {  	s3 =	rddreg [dreg:$0x2];
	[bflag:$0x3] =	sbarrier.arrive $0xFFFF;
	s2 =	simm.s32 @!p0 $0x1C05  }
0x184: {  	[timem:s3], [sflag:s2] =	dma.local @!p0 [hbm:s0], s1  }
0x185: {  	s0 =	simm.s32 @!p0 $0x5  }
0x186: {  	_ =	swait.ge @!p0 [sflag:s0], s1  }
0x187: {  	s1 =	ssub.s32 @!p0 $0x0, s1;
	[sflag:s0] =	ssyncset.done @!p0 $0x0  }
0x188: {  	[sflag:s0] =	ssyncadd.s32 @!p0 s1  }
0x189: {  	[bflag:$0x3] =	sbarrier.arrive $0xFFFF  }
0x18a: {  	_ =	shalt  }

// kernel: kernel.8.cloned.1.call-start
scs
__scs_entry_jumppad:
0x0: {  	(pc) =	sbr.rel $0x88, $3  }
0x1: {  	(tag) =	ssettag $0x0;
	lr =	simm.s32 $0x1  }
0x2: {  	[smem:$0x3F9B] =	sst lr;
	_ =	strace $0xD0000000  }
0x3: {  	_ = 	snop  }
0x4: {  	_ = 	snop  }
0x5: {  	_ = 	snop  }
0x6: {  	_ = 	snop  }
0x7: {  	_ = 	snop  }
__scs_overlays_trampoline_lowered:
0x8: {  	[smem:$0x3FAA] =	sst s0  }
0x9: {  	[smem:$0x3FAB] =	sst s1  }
0xa: {  	[smem:$0x3FAC] =	sst s2  }
0xb: {  	[smem:$0x3FAD] =	sst s3  }
0xc: {  	[smem:$0x3FAE] =	sst s4  }
0xd: {  	[smem:$0x3FAF] =	sst s5  }
0xe: {  	[smem:$0x3FB0] =	sst s6  }
0xf: {  	[smem:$0x3FB1] =	sst s7  }
0x10: {  	[smem:$0x3FB2] =	sst s8  }
0x11: {  	[smem:$0x3FB3] =	sst s9;
	s0 =	simm.s32 @!p0 $0x0  }
0x12: {  	s1 =	sld [smem:$0x3F99];
	s0 =	simm.s32 @p0 $0x1  }
0x13: {  	[smem:$0x3FB4] =	sst s0;
	s0 =	simm.s32 @!p1 $0x0  }
0x14: {  	s2 =	sld [smem:$0x3F98];
	s0 =	simm.s32 @p1 $0x1  }
0x15: {  	[smem:$0x3FB5] =	sst s0;
	s0 =	simm.s32 @!p2 $0x0  }
0x16: {  	s3 =	sld [smem:$0x3FDB];
	s0 =	simm.s32 @p2 $0x1  }
0x17: {  	s4 =	simm.s32 $0x1BF5;
	[smem:$0x3FB7] =	sst s0  }
0x18: {  	s0 =	sld [smem:$0x3F9A];
	_ =	swait.ge [sflag:s4], $0x0  }
0x19: {  	s7 =	sld [smem:$0x3F9B]  }
0x1a: {  	s8 =	sadd.s32 $0xFFFFE003, lr  }
0x1b: {  	s9 =	sadd.s32 $0xFFFFFEF7, lr;
	s5 =	simm.s32 $0xFFFFFFFF;
	p2 =	slt.u32 s8, $0xFFFFF086  }
0x1c: {  	p1 =	slt.u32 s9, $0xF7A;
	s5 =	simm.s32 @!p2 $0x0  }
0x1d: {  	s5 =	simm.s32 @p1 $0x1;
	p0 =	seq.s32 s7, s2  }
0x1e: {  	s7 =	smul.u32 @!p0 $0xF7A, s2;
	p2 =	seq.s32 @!p0 s5, $0x0  }
0x1f: {  	s9 =	smul.u32 $0xF7A, s1;
	s8 =	simm.s32 @!p0 $0x1BF5;
	p2 =	por !p2, p0  }
0x20: {  	[sflag:s8] =	ssyncset.s32 @!p0 $0xFFFFF086;
	s6 =	sadd.s32 @!p0 s3, s7;
	s7 =	simm.s32 @!p0 $0x108  }
0x21: {  	s3 =	sadd.s32 s3, s9;
	s6 =	sadd.s32 @!p0 $0x88, s6;
	s7 =	simm.s32 @p2 $0x1082  }
0x22: {  	[simem:s7], [sflag:s8] =	dma.local @!p0 [hbm:s6], $0xF7A  }
0x23: {  	s9 =	sor.u32 $0xD0000000, s2;
	s6 =	simm.s32 $0x108;
	_ =	swait.ge @!p0 [sflag:s8], $0x0  }
0x24: {  	s3 =	sadd.s32 $0x88, s3;
	s6 =	simm.s32 @!p1 $0x1082;
	[sflag:s4] =	ssyncset.s32 $0xFFFFF086  }
0x25: {  	[simem:s6], [sflag:s4] =	dma.local [hbm:s3], $0xF7A  }
0x26: {  	[smem:$0x3F9B] =	sst s1;
	(tag) =	ssettag s2;
	_ =	strace s9  }
0x27: {  	s1 =	sld [smem:$0x3FAB]  }
0x28: {  	s2 =	sld [smem:$0x3FAC]  }
0x29: {  	s4 =	sld [smem:$0x3FAE]  }
0x2a: {  	p0 =	seq.s32 s5, $0x0;
	s5 =	sld [smem:$0x3FAF]  }
0x2b: {  	s6 =	sld [smem:$0x3FB0]  }
0x2c: {  	s7 =	sld [smem:$0x3FB1]  }
0x2d: {  	s3 =	simm.s32 $0x108;
	s8 =	sld [smem:$0x3FB2]  }
0x2e: {  	s3 =	simm.s32 @!p0 $0x1082;
	s9 =	sld [smem:$0x3FB3]  }
0x2f: {  	lr =	sadd.s32 s0, s3;
	s0 =	sld [smem:$0x3FAA]  }
0x30: {  	s3 =	sld [smem:$0x3FAD]  }
0x31: {  	[smem:$0x3FB6] =	sst s10  }
0x32: {  	s10 =	sld [smem:$0x3FB4];
	_ =	sdelay $0x3  }
0x33: {  	p0 =	seq.s32 s10, $0x1;
	s10 =	sld [smem:$0x3FB6];
	_ =	sdelay $0x3  }
0x34: {  	[smem:$0x3FB6] =	sst s10  }
0x35: {  	s10 =	sld [smem:$0x3FB5];
	_ =	sdelay $0x3  }
0x36: {  	p1 =	seq.s32 s10, $0x1;
	s10 =	sld [smem:$0x3FB6];
	_ =	sdelay $0x3  }
0x37: {  	[smem:$0x3FB6] =	sst s10  }
0x38: {  	s10 =	sld [smem:$0x3FB7]  }
0x39: {  	_ = 	snop;
	(pc) =	sbr.ind lr, $3  }
0x3a: {  	_ = 	snop  }
0x3b: {  	_ = 	snop  }
0x3c: {  	p2 =	seq.s32 s10, $0x1;
	s10 =	sld [smem:$0x3FB6]  }
0x3d: {  	_ =	shalt  }
0x3e: {  	_ =	shalt  }
0x3f: {  	_ =	shalt  }
0x40: {  	_ =	shalt  }
0x41: {  	_ =	shalt  }
0x42: {  	_ =	shalt  }
0x43: {  	_ =	shalt  }
0x44: {  	_ =	shalt  }
0x45: {  	_ =	shalt  }
0x46: {  	_ =	shalt  }
0x47: {  	_ =	shalt  }
0x48: {  	_ =	shalt  }
0x49: {  	_ =	shalt  }
0x4a: {  	_ =	shalt  }
0x4b: {  	_ =	shalt  }
0x4c: {  	_ =	shalt  }
0x4d: {  	_ =	shalt  }
0x4e: {  	_ =	shalt  }
0x4f: {  	_ =	shalt  }
0x50: {  	_ =	shalt  }
0x51: {  	_ =	shalt  }
0x52: {  	_ =	shalt  }
0x53: {  	_ =	shalt  }
0x54: {  	_ =	shalt  }
0x55: {  	_ =	shalt  }
0x56: {  	_ =	shalt  }
0x57: {  	_ =	shalt  }
0x58: {  	_ =	shalt  }
0x59: {  	_ =	shalt  }
0x5a: {  	_ =	shalt  }
0x5b: {  	_ =	shalt  }
0x5c: {  	_ =	shalt  }
0x5d: {  	_ =	shalt  }
0x5e: {  	_ =	shalt  }
0x5f: {  	_ =	shalt  }
0x60: {  	_ =	shalt  }
0x61: {  	_ =	shalt  }
0x62: {  	_ =	shalt  }
0x63: {  	_ =	shalt  }
0x64: {  	_ =	shalt  }
0x65: {  	_ =	shalt  }
0x66: {  	_ =	shalt  }
0x67: {  	_ =	shalt  }
0x68: {  	_ =	shalt  }
0x69: {  	_ =	shalt  }
0x6a: {  	_ =	shalt  }
0x6b: {  	_ =	shalt  }
0x6c: {  	_ =	shalt  }
0x6d: {  	_ =	shalt  }
0x6e: {  	_ =	shalt  }
0x6f: {  	_ =	shalt  }
0x70: {  	_ =	shalt  }
0x71: {  	_ =	shalt  }
0x72: {  	_ =	shalt  }
0x73: {  	_ =	shalt  }
0x74: {  	_ =	shalt  }
0x75: {  	_ =	shalt  }
0x76: {  	_ =	shalt  }
0x77: {  	_ =	shalt  }
0x78: {  	_ =	shalt  }
0x79: {  	_ =	shalt  }
0x7a: {  	_ =	shalt  }
0x7b: {  	_ =	shalt  }
0x7c: {  	_ =	shalt  }
0x7d: {  	_ =	shalt  }
0x7e: {  	_ =	shalt  }
0x7f: {  	_ =	shalt  }
0x80: {  	_ =	shalt  }
0x81: {  	_ =	shalt  }
0x82: {  	_ =	shalt  }
0x83: {  	_ =	shalt  }
0x84: {  	_ =	shalt  }
0x85: {  	_ =	shalt  }
0x86: {  	_ =	shalt  }
0x87: {  	_ =	shalt  }
.Lfunc_end0:
.L_simem_size_0:
called_computation.1_lowered:
.L_overlay_start_0:
0x88: {  	s2 =	sld [smem:$0x3FD9]  }
0x89: {  	s3 =	sld [smem:$0x3FFE];
	_ =	sdelay $0x1  }
0x8a: {  	s1 =	srdreg.scid  }
0x8b: {  	s0 =	sand.u32 $0x1, s1  }
0x8c: {  	s16 =	sshll.u32 s0, $0xA;
	s2 =	sadd.s32 s3, s2  }
0x8d: {  	s2 =	sadd.s32 s2, s16  }
0x8e: {  	[smem:$0x3FC2] =	sst s2  }
0x8f: {  	_ = 	snop  }
0x90: {  	(tm) =	ssettm $0x1  }
0x91: {  	s17 =	sld [smem:$0x3FFB];
	_ =	sdelay $0x3  }
0x92: {  	_ =	strace s17  }
0x93: {  	s2 =	sld [smem:$0x3FFC];
	_ =	sdelay $0x3  }
0x94: {  	_ =	strace s2  }
0x95: {  	s2 =	sld [smem:$0x3FFD];
	_ =	sdelay $0x3  }
0x96: {  	_ =	strace s2  }
0x97: {  	_ =	strace $0x8FFFFFFF  }
0x98: {  	s18 =	sld [smem:$0x3FDB];
	_ =	sdelay $0x1  }
0x99: {  	s19 =	simm.s32 $_scs_section_size  }
0x9a: {  	s4 =	simm.s32 $_size__tile_overlayer_lowered;
	s5 =	simm.s32 $_tile_overlayer_lowered  }
0x9b: {  	s22 =	simm.s32 $0x1BFF;
	s21 =	sshll.u32 s5, $0x1;
	s2 =	sadd.s32 s19, s18  }
0x9c: {  	s6 =	simm.s32 $0x0;
	s20 =	sshll.u32 s4, $0x1;
	s4 =	sadd.s32 s21, s2  }
0x9d: {  	[timem:s6], [sflag:s22] =	dma.local [hbm:s4], s20  }
0x9e: {  	_ =	swait.ge [sflag:s22], s20  }
0x9f: {  	s3 =	ssub.s32 $0x0, s20;
	[sflag:s22] =	ssyncset.done $0x0  }
0xa0: {  	[sflag:s22] =	ssyncadd.s32 s3;
	_ =	sdelay $0x1  }
0xa1: {  	s23 =	simm.s32 $0x1B8B  }
0xa2: {  	_ =	swait.ge [sflag:s23], $0x1  }
0xa3: {  	[sflag:s23] =	ssyncset.done $0x0  }
0xa4: {  	s25 =	simm.s32 $0x1B8E;
	s24 =	sld [smem:$0x3FFE];
	[sflag:s23] =	ssyncadd.s32 $0xFFFFFFFF  }
0xa5: {  	s26 =	simm.s32 $execute0_lowered;
	[smem:$0x3FD2] =	sst s25  }
0xa6: {  	s4 =	sshll.u32 s26, $0x1;
	_ =	strace $0x80000049;
	[dreg:$0x1] =	wrdreg $0xFFFFFFFF  }
0xa7: {  	s28 =	simm.s32 $_size_execute0_lowered;
	s2 =	sadd.s32 s2, s4;
	[dreg:$0x0] =	wrdreg $0x0  }
0xa8: {  	s4 =	sshll.u32 s28, $0x1;
	[dreg:$0x2] =	wrdreg s2  }
0xa9: {  	[dreg:$0x3] =	wrdreg s4  }
0xaa: {  	[dreg:$0x4] =	wrdreg $0xC0  }
0xab: {  	_ =	task [dreg:s6], $0x5FFFF  }
0xac: {  	[dreg:$0x1] =	wrdreg $0xFFFFFFFF  }
0xad: {  	[dreg:$0x0] =	wrdreg $0x60  }
0xae: {  	[dreg:$0x2] =	wrdreg s24  }
0xaf: {  	[dreg:$0x3] =	wrdreg $0x9  }
0xb0: {  	_ =	task.clear_ibuf [dreg:s6], $0x4FFFF;
	_ =	strace $0x90000049  }
0xb1: {  	s29 =	simm.s32 $0x9;
	_ =	strace $0x8000004B  }
0xb2: {  	_ =	swait.ge [sflag:s29], $0x1  }
0xb3: {  	[sflag:s29] =	ssyncadd.s32 $0xFFFFFFFF  }
0xb4: {  	_ =	strace $0x9000004B  }
0xb5: {  	_ =	sfence  }
0xb6: {  	s30 =	sld [smem:$0x0];
	_ =	sdelay $0x2  }
0xb7: {  	s31 =	sshll.u32 s1, $0xD;
	s1 =	sshrl.u32 s1, $0x2  }
0xb8: {  	s3 =	sand.u32 $0x4000, s31;
	s1 =	sadd.s32 s1, s30  }
0xb9: {  	s0 =	sor.u32 s3, s0;
	s1 =	sshll.u32 s1, $0x11  }
0xba: {  	s0 =	sor.u32 s1, s0  }
0xbb: {  	s0 =	sadd.s32 $0x8F2B, s0  }
0xbc: {  	[sflag:s0] =	ssyncadd.remote.s32 $0x1  }
0xbd: {  	_ =	sfence.sel $0xFFFF  }
0xbe: {  	[dreg:$0x0] =	wrdreg $0xFFFFFFFF;
	(pc) =	sbr.abs _section_cstart, $3  }
0xbf: {  	[dreg:$0x1] =	wrdreg $0xFFFFFFFF  }
0xc0: {  	_ =	task.clear_ibuf [dreg:s6], $0x2FFFF;
	_ =	strace $0x9FFFFFFF  }
0xc1: {  	(tm) =	ssettm $0x7FFFFFFF  }
tec
execute0_lowered:
.L_overlay_start_1:
0x0: {  	(tag) =	ssettag $0x1  }
0x1: {  	s1 =	srdreg.scid;
	s0 =	stileid.u32  }
0x2: {  	s14 =	sand.u32 $0x1, s1;
	s28 =	sshll.u32 s0, $0x1  }
0x3: {  	s8 =	sor.u32 s14, s28  }
0x4: {  	s9 =	rddreg [dreg:$0x0];
	s13 =	smul.u32 $0x3400, s8  }
0x5: {  	s2 =	simm.s32 $0x0;
	s1 =	rddreg [dreg:$0x1]  }
0x6: {  	[smem:$0x7FF] =	sst s2;
	s15 =	sadd.s32 $0x3D1E00, s9;
	s3 =	sshrl.u32 s13, $0x3  }
0x7: {  	_ =	strace $0x8000004A;
	s4 =	sadd.s32 s15, s3;
	s3 =	simm.s32 $0x2  }
0x8: {  	[tilespmem:s2], [sflag:$0x2] =	stream.linear.gather [hbm4b:s4+s2], $0xD00, $0x38;
	[tilespmem:$0x1AD00] =	vst v63  }
0x9: {  	_ =	swait.ge [sflag:s3], $0xD00  }
0xa: {  	s6 =	simm.s32 $0xD00;
	[sflag:s3] =	ssyncset.done $0x0  }
0xb: {  	s7 =	simm.s32 $0x1;
	s5 =	sadd.s32 $0x1400, s9;
	[sflag:s3] =	ssyncadd.s32 $0xFFFFF300  }
0xc: {  	[tilespmem:s6], [sflag:$0x1] =	stream.indirect.gather [hbm4b:s5+s6], $0x20, s2, s6, $0xb8;
	[tilespmem:$0x1AD00] =	vst v63  }
0xd: {  	s8 =	smul.u32 $0xD000, s8;
	_ =	swait.ge [sflag:s7], $0x1A000  }
0xe: {  	s16 =	sadd.s32 $0x3DEE00, s9;
	[sflag:s7] =	ssyncset.done $0x0  }
0xf: {  	s8 =	sadd.s32 s16, s8;
	[sflag:s7] =	ssyncadd.s32 $0xFFFE6000  }
0x10: {  	[hbm4b:s8+s2] =	stream.linear.scatter [tilespmem:s6], [sflag:$0x2], $0x1A000, $0x38;
	[tilespmem:$0x1AD00] =	vst v63  }
0x11: {  	s10 =	sadd.s32 $0xD00, s13;
	_ =	swait.ge [sflag:s3], $0x1A000  }
0x12: {  	s29 =	sshrl.u32 s10, $0x3;
	[sflag:s3] =	ssyncset.done $0x0  }
0x13: {  	s9 =	sadd.s32 s15, s29;
	[sflag:s3] =	ssyncadd.s32 $0xFFFE6000  }
0x14: {  	[tilespmem:s2], [sflag:$0x2] =	stream.linear.gather [hbm4b:s9+s2], $0xD00, $0x38;
	[tilespmem:$0x1AD00] =	vst v63  }
0x15: {  	_ =	swait.ge [sflag:s3], $0xD00  }
0x16: {  	[sflag:s3] =	ssyncset.done $0x0  }
0x17: {  	[sflag:s3] =	ssyncadd.s32 $0xFFFFF300  }
0x18: {  	[tilespmem:s6], [sflag:$0x1] =	stream.indirect.gather [hbm4b:s5+s6], $0x20, s2, s6, $0xb8;
	[tilespmem:$0x1AD00] =	vst v63  }
0x19: {  	_ =	swait.ge [sflag:s7], $0x1A000  }
0x1a: {  	s10 =	sshll.u32 s10, $0x2;
	[sflag:s7] =	ssyncset.done $0x0  }
0x1b: {  	s10 =	sadd.s32 s16, s10;
	[sflag:s7] =	ssyncadd.s32 $0xFFFE6000  }
0x1c: {  	[hbm4b:s10+s2] =	stream.linear.scatter [tilespmem:s6], [sflag:$0x2], $0x1A000, $0x38;
	[tilespmem:$0x1AD00] =	vst v63  }
0x1d: {  	s12 =	sadd.s32 $0x1A00, s13;
	_ =	swait.ge [sflag:s3], $0x1A000  }
0x1e: {  	s11 =	sshrl.u32 s12, $0x3;
	[sflag:s3] =	ssyncset.done $0x0  }
0x1f: {  	s11 =	sadd.s32 s15, s11;
	[sflag:s3] =	ssyncadd.s32 $0xFFFE6000  }
0x20: {  	[tilespmem:s2], [sflag:$0x2] =	stream.linear.gather [hbm4b:s11+s2], $0xD00, $0x38;
	[tilespmem:$0x1AD00] =	vst v63  }
0x21: {  	_ =	swait.ge [sflag:s3], $0xD00  }
0x22: {  	[sflag:s3] =	ssyncset.done $0x0  }
0x23: {  	[sflag:s3] =	ssyncadd.s32 $0xFFFFF300  }
0x24: {  	[tilespmem:s6], [sflag:$0x1] =	stream.indirect.gather [hbm4b:s5+s6], $0x20, s2, s6, $0xb8;
	[tilespmem:$0x1AD00] =	vst v63  }
0x25: {  	_ =	swait.ge [sflag:s7], $0x1A000  }
0x26: {  	s12 =	sshll.u32 s12, $0x2;
	[sflag:s7] =	ssyncset.done $0x0  }
0x27: {  	s12 =	sadd.s32 s16, s12;
	[sflag:s7] =	ssyncadd.s32 $0xFFFE6000  }
0x28: {  	[hbm4b:s12+s2] =	stream.linear.scatter [tilespmem:s6], [sflag:$0x2], $0x1A000, $0x38;
	[tilespmem:$0x1AD00] =	vst v63  }
0x29: {  	s17 =	sadd.s32 $0x2700, s13;
	_ =	swait.ge [sflag:s3], $0x1A000  }
0x2a: {  	s13 =	sshrl.u32 s17, $0x3;
	[sflag:s3] =	ssyncset.done $0x0  }
0x2b: {  	s14 =	ssub.s32 $0x2, s14;
	s13 =	sadd.s32 s15, s13;
	[sflag:s3] =	ssyncadd.s32 $0xFFFE6000  }
0x2c: {  	[tilespmem:s2], [sflag:$0x2] =	stream.linear.gather [hbm4b:s13+s2], $0xD00, $0x38;
	[tilespmem:$0x1AD00] =	vst v63  }
0x2d: {  	s30 =	sshrl.u32 s14, $0x1;
	_ =	swait.ge [sflag:s3], $0xD00  }
0x2e: {  	s15 =	ssub.s32 s14, s30;
	[sflag:s3] =	ssyncset.done $0x0  }
0x2f: {  	s15 =	smax.u32 s15, $0x1;
	[sflag:s3] =	ssyncadd.s32 $0xFFFFF300  }
0x30: {  	[tilespmem:s6], [sflag:$0x1] =	stream.indirect.gather [hbm4b:s5+s6], $0x20, s2, s6, $0xb8;
	[tilespmem:$0x1AD00] =	vst v63  }
0x31: {  	p0 =	sne.s32 s15, $0x1;
	_ =	swait.ge [sflag:s7], $0x1A000  }
.Ltmp0:
0x32: {  	s31 =	sshll.u32 s17, $0x2;
	[sflag:s7] =	ssyncset.done $0x0;
	(pc) =	sbr.rel @!p0 .LBB2_2-.Ltmp0, $4  }
0x33: {  	s14 =	sadd.s32 s16, s31;
	[sflag:s7] =	ssyncadd.s32 $0xFFFE6000  }
0x34: {  	[hbm4b:s14+s2] =	stream.linear.scatter [tilespmem:s6], [sflag:$0x2], $0x1A000, $0x38;
	[tilespmem:$0x1AD00] =	vst v63  }
0x35: {  	_ =	swait.ge [sflag:s3], $0x1A000  }
0x36: {  	s15 =	sadd.s32 $0xFFFFFFFF, s15;
	[sflag:s3] =	ssyncset.done $0x0  }
.LBB2_1:
0x37: {  	p0 =	sne.s32 s15, $0x1;
	s15 =	sadd.s32 $0xFFFFFFFF, s15;
	[sflag:s3] =	ssyncadd.s32 $0xFFFE6000  }
0x38: {  	[tilespmem:s2], [sflag:$0x2] =	stream.linear.gather [hbm4b:s4+s2], $0xD00, $0x38;
	[tilespmem:$0x1AD00] =	vst v63  }
0x39: {  	_ =	swait.ge [sflag:s3], $0xD00  }
0x3a: {  	[sflag:s3] =	ssyncset.done $0x0  }
0x3b: {  	[sflag:s3] =	ssyncadd.s32 $0xFFFFF300  }
0x3c: {  	[tilespmem:s6], [sflag:$0x1] =	stream.indirect.gather [hbm4b:s5+s6], $0x20, s2, s6, $0xb8;
	[tilespmem:$0x1AD00] =	vst v63  }
0x3d: {  	_ =	swait.ge [sflag:s7], $0x1A000  }
0x3e: {  	[sflag:s7] =	ssyncset.done $0x0  }
0x3f: {  	[sflag:s7] =	ssyncadd.s32 $0xFFFE6000  }
0x40: {  	[hbm4b:s8+s2] =	stream.linear.scatter [tilespmem:s6], [sflag:$0x2], $0x1A000, $0x38;
	[tilespmem:$0x1AD00] =	vst v63  }
0x41: {  	_ =	swait.ge [sflag:s3], $0x1A000  }
0x42: {  	[sflag:s3] =	ssyncset.done $0x0  }
0x43: {  	[sflag:s3] =	ssyncadd.s32 $0xFFFE6000  }
0x44: {  	[tilespmem:s2], [sflag:$0x2] =	stream.linear.gather [hbm4b:s9+s2], $0xD00, $0x38;
	[tilespmem:$0x1AD00] =	vst v63  }
0x45: {  	_ =	swait.ge [sflag:s3], $0xD00  }
0x46: {  	[sflag:s3] =	ssyncset.done $0x0  }
0x47: {  	[sflag:s3] =	ssyncadd.s32 $0xFFFFF300  }
0x48: {  	[tilespmem:s6], [sflag:$0x1] =	stream.indirect.gather [hbm4b:s5+s6], $0x20, s2, s6, $0xb8;
	[tilespmem:$0x1AD00] =	vst v63  }
0x49: {  	_ =	swait.ge [sflag:s7], $0x1A000  }
0x4a: {  	[sflag:s7] =	ssyncset.done $0x0  }
0x4b: {  	[sflag:s7] =	ssyncadd.s32 $0xFFFE6000  }
0x4c: {  	[hbm4b:s10+s2] =	stream.linear.scatter [tilespmem:s6], [sflag:$0x2], $0x1A000, $0x38;
	[tilespmem:$0x1AD00] =	vst v63  }
0x4d: {  	_ =	swait.ge [sflag:s3], $0x1A000  }
0x4e: {  	[sflag:s3] =	ssyncset.done $0x0  }
0x4f: {  	[sflag:s3] =	ssyncadd.s32 $0xFFFE6000  }
0x50: {  	[tilespmem:s2], [sflag:$0x2] =	stream.linear.gather [hbm4b:s11+s2], $0xD00, $0x38;
	[tilespmem:$0x1AD00] =	vst v63  }
0x51: {  	_ =	swait.ge [sflag:s3], $0xD00  }
0x52: {  	[sflag:s3] =	ssyncset.done $0x0  }
0x53: {  	[sflag:s3] =	ssyncadd.s32 $0xFFFFF300  }
0x54: {  	[tilespmem:s6], [sflag:$0x1] =	stream.indirect.gather [hbm4b:s5+s6], $0x20, s2, s6, $0xb8;
	[tilespmem:$0x1AD00] =	vst v63  }
0x55: {  	_ =	swait.ge [sflag:s7], $0x1A000  }
0x56: {  	[sflag:s7] =	ssyncset.done $0x0  }
0x57: {  	[sflag:s7] =	ssyncadd.s32 $0xFFFE6000  }
0x58: {  	[hbm4b:s12+s2] =	stream.linear.scatter [tilespmem:s6], [sflag:$0x2], $0x1A000, $0x38;
	[tilespmem:$0x1AD00] =	vst v63  }
0x59: {  	_ =	swait.ge [sflag:s3], $0x1A000  }
0x5a: {  	[sflag:s3] =	ssyncset.done $0x0  }
0x5b: {  	[sflag:s3] =	ssyncadd.s32 $0xFFFE6000  }
0x5c: {  	[tilespmem:s2], [sflag:$0x2] =	stream.linear.gather [hbm4b:s13+s2], $0xD00, $0x38;
	[tilespmem:$0x1AD00] =	vst v63  }
0x5d: {  	_ =	swait.ge [sflag:s3], $0xD00  }
0x5e: {  	[sflag:s3] =	ssyncset.done $0x0  }
0x5f: {  	[sflag:s3] =	ssyncadd.s32 $0xFFFFF300  }
0x60: {  	[tilespmem:s6], [sflag:$0x1] =	stream.indirect.gather [hbm4b:s5+s6], $0x20, s2, s6, $0xb8;
	[tilespmem:$0x1AD00] =	vst v63  }
0x61: {  	_ =	swait.ge [sflag:s7], $0x1A000  }
.Ltmp1:
0x62: {  	[sflag:s7] =	ssyncset.done $0x0;
	(pc) =	sbr.rel @p0 .LBB2_1-.Ltmp1, $4  }
0x63: {  	[sflag:s7] =	ssyncadd.s32 $0xFFFE6000  }
0x64: {  	[hbm4b:s14+s2] =	stream.linear.scatter [tilespmem:s6], [sflag:$0x2], $0x1A000, $0x38;
	[tilespmem:$0x1AD00] =	vst v63  }
0x65: {  	_ =	swait.ge [sflag:s3], $0x1A000  }
0x66: {  	[sflag:s3] =	ssyncset.done $0x0  }
.LBB2_2:
0x67: {  	[sflag:s3] =	ssyncadd.s32 $0xFFFE6000  }
0x68: {  	_ =	sfence.sel $0x180000  }
0x69: {  	[bflag:$0x0] =	sbarrier.arrive $0xFFFF  }
0x6a: {  	p0 =	sne.s32 s0, $0x0;
	_ =	strace $0x9000004A  }
0x6b: {  	s0 =	sadd.s32 @!p0 $0x100000, s1;
	[bflag:$0x2] =	sbarrier.arrive $0xFFFF  }
0x6c: {  	[sflag:s0] =	ssyncadd.tile.s32 @!p0 $0x1;
	_ =	shalt  }
.Lfunc_end2:
_tile_overlayer_lowered:
.L_overlay_start_2:
0x6d: {  	(tag) =	ssettag $0x2  }
0x6e: {  	s0 =	rddreg [dreg:$0x0];
	s2 =	stileid.u32  }
0x6f: {  	s1 =	rddreg [dreg:$0x1];
	p0 =	sne.s32 s2, $0x0  }
0x70: {  	s3 =	rddreg [dreg:$0x2];
	[bflag:$0x3] =	sbarrier.arrive $0xFFFF;
	s2 =	simm.s32 @!p0 $0x1C02  }
0x71: {  	[timem:s3], [sflag:s2] =	dma.local @!p0 [hbm:s0], s1  }
0x72: {  	s0 =	simm.s32 @!p0 $0x2  }
0x73: {  	_ =	swait.ge @!p0 [sflag:s0], s1  }
0x74: {  	s1 =	ssub.s32 @!p0 $0x0, s1;
	[sflag:s0] =	ssyncset.done @!p0 $0x0  }
0x75: {  	[sflag:s0] =	ssyncadd.s32 @!p0 s1  }
0x76: {  	[bflag:$0x3] =	sbarrier.arrive $0xFFFF  }
0x77: {  	_ =	shalt  }

</sc_bundles>
